<compile_context>
chip_gen: v7x
topology: tpu7x:2x2x1
jax: 0.10.2.dev20260603
libtpu: 0.0.44.dev20260713+nightly
codegen_flags: <defaults>
</compile_context>

<pallas_src>
import functools

import jax
import jax.numpy as jnp
from jax import lax
from jax.experimental import pallas as pl
from jax.experimental.pallas import tpu as pltpu
from jax.experimental.pallas import tpu_sc as plsc

N_E = 1024
E_DIM = 64
BETA = 0.25
B_TOTAL = 36864
BLK = 6144
GRID = B_TOTAL // BLK

NW = 32
ROWS_W = B_TOTAL // NW
CHUNK = 128
NCHUNK = ROWS_W // CHUNK


def _vq_tc_body(zt_ref, c_ref, idx_ref, loss_ref, acc_s):
    i = pl.program_id(0)

    @pl.when(i == 0)
    def _init():
        acc_s[...] = jnp.zeros_like(acc_s)

    c = c_ref[...]
    cnorm_c = jnp.sum(c * c, axis=1, keepdims=True)
    iota_c = jax.lax.broadcasted_iota(jnp.int32, (N_E, 1), 0).astype(
        jnp.float32)

    zt = zt_ref[...]
    znorm_t = jnp.sum(zt * zt, axis=0, keepdims=True)

    sneg2_t = jax.lax.dot_general(-2.0 * c, zt,
                                  (((1,), (0,)), ((), ())),
                                  preferred_element_type=jnp.float32)
    d_t = (znorm_t + cnorm_c) + sneg2_t

    dmin_t = jnp.min(d_t, axis=0, keepdims=True)
    idxrow_f = jnp.min(jnp.where(d_t == dmin_t, iota_c, float(N_E)),
                       axis=0, keepdims=True)

    idx_ref[...] = idxrow_f.astype(jnp.int32).reshape(1, 1, BLK)
    acc_s[...] += jnp.sum(dmin_t, axis=(0, 1), keepdims=True)

    @pl.when(i == GRID - 1)
    def _finalize():
        loss_ref[...] = acc_s[...] * ((1.0 + BETA) / (B_TOTAL * E_DIM))


def _perp_tc_body(hist_ref, perp_ref):
    h = jnp.sum(hist_ref[...], axis=0)
    counts_w = jnp.sum(h, axis=1, keepdims=True)
    e_mean = counts_w * (1.0 / (B_TOTAL * HIST_W))
    ent = jnp.sum(e_mean * jnp.log(e_mean + 1e-10),
                  axis=(0, 1), keepdims=True)
    perp_ref[...] = jnp.exp(-ent)


HIST_W = 16


@functools.partial(
    pl.kernel,
    mesh=plsc.VectorSubcoreMesh(core_axis_name="c", subcore_axis_name="s"),
    compiler_params=pltpu.CompilerParams(use_tc_tiling_on_sc=False),
    out_type=[
        jax.ShapeDtypeStruct((B_TOTAL, E_DIM), jnp.float32),
        jax.ShapeDtypeStruct((2, N_E, HIST_W), jnp.float32),
    ],
    scratch_types=[
        pltpu.VMEM((ROWS_W,), jnp.int32),
        pltpu.VMEM((ROWS_W, E_DIM), jnp.float32),
        pltpu.VMEM((ROWS_W, HIST_W), jnp.float32),
        pltpu.VMEM_SHARED((N_E, HIST_W), jnp.float32),
        pltpu.SemaphoreType.DMA,
    ],
)
def _sc_gather_hist(idx_hbm, table_hbm, ones_hbm, zeros_hbm,
                    zq_hbm, hist_hbm,
                    idx_v, rows_v, ones_v, shared_hist, sem):
    cid = lax.axis_index("c")
    sid = lax.axis_index("s")
    wid = sid * 2 + cid
    base = wid * ROWS_W

    pltpu.sync_copy(idx_hbm.at[wid], idx_v)

    copies = []
    for j in range(NCHUNK):
        copies.append(pltpu.async_copy(
            table_hbm.at[idx_v.at[pl.ds(j * CHUNK, CHUNK)]],
            rows_v.at[pl.ds(j * CHUNK, CHUNK)], sem))

    @pl.when(sid == 0)
    def _zero_hist():
        pltpu.sync_copy(zeros_hbm, shared_hist)
    pltpu.sync_copy(ones_hbm, ones_v)
    plsc.subcore_barrier()
    pltpu.sync_copy(ones_v, shared_hist.at[idx_v], add=True)
    plsc.subcore_barrier()

    @pl.when(sid == 0)
    def _store_hist():
        pltpu.sync_copy(shared_hist, hist_hbm.at[cid])

    for cp in copies:
        cp.wait()
    pltpu.sync_copy(rows_v, zq_hbm.at[pl.ds(base, ROWS_W)])


def kernel(z, codebook, interpret=False):
    z2 = z.reshape(B_TOTAL, E_DIM)
    zt = z2.T
    idx3, loss = pl.pallas_call(
        _vq_tc_body,
        grid=(GRID,),
        in_specs=[
            pl.BlockSpec((E_DIM, BLK), lambda i: (0, i)),
            pl.BlockSpec((N_E, E_DIM), lambda i: (0, 0)),
        ],
        out_specs=[
            pl.BlockSpec((1, 1, BLK), lambda i: (i, 0, 0)),
            pl.BlockSpec((1, 1), lambda i: (0, 0)),
        ],
        out_shape=[
            jax.ShapeDtypeStruct((GRID, 1, BLK), jnp.int32),
            jax.ShapeDtypeStruct((1, 1), jnp.float32),
        ],
        scratch_shapes=[
            pltpu.VMEM((1, 1), jnp.float32),
        ],
        interpret=interpret,
    )(zt, codebook)
    idx_flat = idx3.reshape(B_TOTAL)
    ones_rows = jnp.ones((ROWS_W, HIST_W), jnp.float32)
    zeros_hist = jnp.zeros((N_E, HIST_W), jnp.float32)
    zq, hist = _sc_gather_hist(idx_flat.reshape(NW, ROWS_W), codebook,
                               ones_rows, zeros_hist)
    perp = pl.pallas_call(
        _perp_tc_body,
        out_shape=jax.ShapeDtypeStruct((1, 1), jnp.float32),
        interpret=interpret,
    )(hist)
    return (zq, loss.reshape(()), idx_flat[:, None], perp.reshape(()))

# --- scband reference (transcript-rebuilt; emitter-appended) ---
"""Pipeline reference for scband-vector-quantizer-kmeans-9981503995961 (READ-ONLY COPY).

The authoritative reference and input builder live on the scoring server;
editing this copy changes nothing except your own understanding.
"""

import jax, jax.numpy as jnp
import numpy as np

N_E = 1024
E_DIM = 64
BETA = 0.25

def setup_inputs(seed: int = 0) -> dict:
    key = jax.random.key(seed)
    k1, k2 = jax.random.split(key)
    z = jax.random.normal(k1, (36864, E_DIM), dtype=jnp.float32)
    # embedding initialized uniform(-1/n_e, 1/n_e) like the torch module
    codebook = jax.random.uniform(k2, (N_E, E_DIM), dtype=jnp.float32,
                                  minval=-1.0 / N_E, maxval=1.0 / N_E)
    return {"z": z, "codebook": codebook}

def reference(z, codebook):
    # torch: z.unsqueeze(1).permute(0,2,1).contiguous().view(-1, e_dim) == z (B, e_dim)
    z_flattened = z.reshape(-1, E_DIM)
    # squared euclidean distance to every code
    d = (jnp.sum(z_flattened ** 2, axis=1, keepdims=True)
         + jnp.sum(codebook ** 2, axis=1)
         - 2.0 * jnp.matmul(z_flattened, codebook.T))
    min_encoding_indices = jnp.argmin(d, axis=1)
    min_encodings = jax.nn.one_hot(min_encoding_indices, N_E, dtype=z.dtype)
    z_q = jnp.matmul(min_encodings, codebook)
    # commitment + codebook loss
    loss = (jnp.mean((jax.lax.stop_gradient(z_q) - z_flattened) ** 2)
            + BETA * jnp.mean((z_q - jax.lax.stop_gradient(z_flattened)) ** 2))
    # straight-through estimator
    z_q_st = z_flattened + jax.lax.stop_gradient(z_q - z_flattened)
    e_mean = jnp.mean(min_encodings, axis=0)
    perplexity = jnp.exp(-jnp.sum(e_mean * jnp.log(e_mean + 1e-10)))
    return (z_q_st, loss, min_encoding_indices[:, None], perplexity)

if __name__ == "__main__":
    import jax
    _d = setup_inputs()
    print(jax.jit(kernel)(*tuple(_d.values())))

</pallas_src>

<mosaic_0001>
#map = affine_map<(d0, d1) -> (0, 0)>
#map1 = affine_map<(d0, d1) -> (0, 0, 0)>
module attributes {stable_mosaic.version = 14 : i64} {
  func.func @_sc_gather_hist(%arg0: i32, %arg1: i32, %arg2: memref<32x1152xi32, #tpu.memory_space<hbm>>, %arg3: memref<1024x64xf32, #tpu.memory_space<hbm>>, %arg4: memref<1152x16xf32, #tpu.memory_space<hbm>>, %arg5: memref<1024x16xf32, #tpu.memory_space<hbm>>, %arg6: memref<36864x64xf32, #tpu.memory_space<hbm>>, %arg7: memref<2x1024x16xf32, #tpu.memory_space<hbm>>, %arg8: memref<1152xi32, #tpu.memory_space<vmem>>, %arg9: memref<1152x64xf32, #tpu.memory_space<vmem>>, %arg10: memref<1152x16xf32, #tpu.memory_space<vmem>>, %arg11: memref<1024x16xf32, #tpu.memory_space<vmem_shared>>, %arg12: memref<!tpu.dma_semaphore, #tpu.memory_space<semaphore_mem>>) attributes {dimension_semantics = [#tpu.dimension_semantics<core_parallel>, #tpu.dimension_semantics<subcore_parallel>], iteration_bounds = array<i64: 2, 16>, scalar_prefetch = 0 : i64, scratch_operands = 5 : i64, tpu.core_type = #tpu.core_type<sc_vector_subcore>, window_params = [{transform_indices = #map}, {transform_indices = #map}, {transform_indices = #map}, {transform_indices = #map}, {transform_indices = #map}, {transform_indices = #map1}]} {
    %mul3A = arith.constant 2 : i32
    %mul3A_0 = arith.muli %arg1, %mul3A : i32
    %add3A = arith.addi %mul3A_0, %arg0 : i32
    %mul3A_1 = arith.constant 1152 : i32
    %mul3A_2 = arith.muli %add3A, %mul3A_1 : i32
    "tpu.region"() ({
      %run_scoped3A = tpu.sem_alloc : memref<!tpu.dma_semaphore, #tpu.memory_space<semaphore_mem>>
      %dma_start3A_153 = arith.constant 0 : i32
      %dma_start3A_154 = tpu.memref_slice %arg2[%add3A, %dma_start3A_153] : memref<32x1152xi32, #tpu.memory_space<hbm>> -> memref<1x1152xi32, #tpu.memory_space<hbm>>
      %dma_start3A_155 = tpu.memref_squeeze %dma_start3A_154 : memref<1x1152xi32, #tpu.memory_space<hbm>> -> memref<1152xi32, #tpu.memory_space<hbm>>
      %dma_start3A_156 = arith.constant 0 : i32
      %dma_start3A_157 = tpu.memref_slice %arg2[%add3A, %dma_start3A_156] : memref<32x1152xi32, #tpu.memory_space<hbm>> -> memref<1x1152xi32, #tpu.memory_space<hbm>>
      %dma_start3A_158 = tpu.memref_squeeze %dma_start3A_157 : memref<1x1152xi32, #tpu.memory_space<hbm>> -> memref<1152xi32, #tpu.memory_space<hbm>>
      tpu.enqueue_dma source(%dma_start3A_158 : memref<1152xi32, #tpu.memory_space<hbm>>) target(%arg8 : memref<1152xi32, #tpu.memory_space<vmem>>) target_semaphore(%run_scoped3A : memref<!tpu.dma_semaphore, #tpu.memory_space<semaphore_mem>>)
      %dma_wait3A_159 = arith.constant 0 : i32
      %dma_wait3A_160 = tpu.memref_slice %arg2[%add3A, %dma_wait3A_159] : memref<32x1152xi32, #tpu.memory_space<hbm>> -> memref<1x1152xi32, #tpu.memory_space<hbm>>
      %dma_wait3A_161 = tpu.memref_squeeze %dma_wait3A_160 : memref<1x1152xi32, #tpu.memory_space<hbm>> -> memref<1152xi32, #tpu.memory_space<hbm>>
      %dma_wait3A_162 = arith.constant 0 : i32
      %dma_wait3A_163 = tpu.memref_slice %arg2[%add3A, %dma_wait3A_162] : memref<32x1152xi32, #tpu.memory_space<hbm>> -> memref<1x1152xi32, #tpu.memory_space<hbm>>
      %dma_wait3A_164 = tpu.memref_squeeze %dma_wait3A_163 : memref<1x1152xi32, #tpu.memory_space<hbm>> -> memref<1152xi32, #tpu.memory_space<hbm>>
      tpu.wait_dma2 semaphore(%run_scoped3A : memref<!tpu.dma_semaphore, #tpu.memory_space<semaphore_mem>>) src(%dma_wait3A_164 : memref<1152xi32, #tpu.memory_space<hbm>>) dst(%arg8 : memref<1152xi32, #tpu.memory_space<vmem>>)
      tpu.yield
    }) : () -> ()
    %dma_start3A = arith.constant 0 : i32
    %dma_start3A_3 = arith.constant 0 : i32
    %dma_start3A_4 = tpu.memref_slice %arg9[%dma_start3A, %dma_start3A_3] : memref<1152x64xf32, #tpu.memory_space<vmem>> -> memref<128x64xf32, #tpu.memory_space<vmem>>
    %dma_start3A_5 = arith.constant 0 : i32
    %dma_start3A_6 = tpu.memref_slice %arg8[%dma_start3A_5] : memref<1152xi32, #tpu.memory_space<vmem>> -> memref<128xi32, #tpu.memory_space<vmem>>
    %dma_start3A_7 = arith.constant 0 : i32
    %dma_start3A_8 = arith.constant 0 : i32
    %dma_start3A_9 = tpu.memref_slice %arg3[%dma_start3A_7, %dma_start3A_8] : memref<1024x64xf32, #tpu.memory_space<hbm>> -> memref<1024x64xf32, #tpu.memory_space<hbm>>
    tpu.enqueue_indirect_dma source(%dma_start3A_9 : memref<1024x64xf32, #tpu.memory_space<hbm>>) target(%dma_start3A_4 : memref<128x64xf32, #tpu.memory_space<vmem>>) offsets(%dma_start3A_6 : memref<128xi32, #tpu.memory_space<vmem>>) semaphore(%arg12 : memref<!tpu.dma_semaphore, #tpu.memory_space<semaphore_mem>>)
    %dma_start3A_10 = arith.constant 128 : i32
    %dma_start3A_11 = arith.constant 0 : i32
    %dma_start3A_12 = tpu.memref_slice %arg9[%dma_start3A_10, %dma_start3A_11] : memref<1152x64xf32, #tpu.memory_space<vmem>> -> memref<128x64xf32, #tpu.memory_space<vmem>>
    %dma_start3A_13 = arith.constant 128 : i32
    %dma_start3A_14 = tpu.memref_slice %arg8[%dma_start3A_13] : memref<1152xi32, #tpu.memory_space<vmem>> -> memref<128xi32, #tpu.memory_space<vmem>>
    %dma_start3A_15 = arith.constant 0 : i32
    %dma_start3A_16 = arith.constant 0 : i32
    %dma_start3A_17 = tpu.memref_slice %arg3[%dma_start3A_15, %dma_start3A_16] : memref<1024x64xf32, #tpu.memory_space<hbm>> -> memref<1024x64xf32, #tpu.memory_space<hbm>>
    tpu.enqueue_indirect_dma source(%dma_start3A_17 : memref<1024x64xf32, #tpu.memory_space<hbm>>) target(%dma_start3A_12 : memref<128x64xf32, #tpu.memory_space<vmem>>) offsets(%dma_start3A_14 : memref<128xi32, #tpu.memory_space<vmem>>) semaphore(%arg12 : memref<!tpu.dma_semaphore, #tpu.memory_space<semaphore_mem>>)
    %dma_start3A_18 = arith.constant 256 : i32
    %dma_start3A_19 = arith.constant 0 : i32
    %dma_start3A_20 = tpu.memref_slice %arg9[%dma_start3A_18, %dma_start3A_19] : memref<1152x64xf32, #tpu.memory_space<vmem>> -> memref<128x64xf32, #tpu.memory_space<vmem>>
    %dma_start3A_21 = arith.constant 256 : i32
    %dma_start3A_22 = tpu.memref_slice %arg8[%dma_start3A_21] : memref<1152xi32, #tpu.memory_space<vmem>> -> memref<128xi32, #tpu.memory_space<vmem>>
    %dma_start3A_23 = arith.constant 0 : i32
    %dma_start3A_24 = arith.constant 0 : i32
    %dma_start3A_25 = tpu.memref_slice %arg3[%dma_start3A_23, %dma_start3A_24] : memref<1024x64xf32, #tpu.memory_space<hbm>> -> memref<1024x64xf32, #tpu.memory_space<hbm>>
    tpu.enqueue_indirect_dma source(%dma_start3A_25 : memref<1024x64xf32, #tpu.memory_space<hbm>>) target(%dma_start3A_20 : memref<128x64xf32, #tpu.memory_space<vmem>>) offsets(%dma_start3A_22 : memref<128xi32, #tpu.memory_space<vmem>>) semaphore(%arg12 : memref<!tpu.dma_semaphore, #tpu.memory_space<semaphore_mem>>)
    %dma_start3A_26 = arith.constant 384 : i32
    %dma_start3A_27 = arith.constant 0 : i32
    %dma_start3A_28 = tpu.memref_slice %arg9[%dma_start3A_26, %dma_start3A_27] : memref<1152x64xf32, #tpu.memory_space<vmem>> -> memref<128x64xf32, #tpu.memory_space<vmem>>
    %dma_start3A_29 = arith.constant 384 : i32
    %dma_start3A_30 = tpu.memref_slice %arg8[%dma_start3A_29] : memref<1152xi32, #tpu.memory_space<vmem>> -> memref<128xi32, #tpu.memory_space<vmem>>
    %dma_start3A_31 = arith.constant 0 : i32
    %dma_start3A_32 = arith.constant 0 : i32
    %dma_start3A_33 = tpu.memref_slice %arg3[%dma_start3A_31, %dma_start3A_32] : memref<1024x64xf32, #tpu.memory_space<hbm>> -> memref<1024x64xf32, #tpu.memory_space<hbm>>
    tpu.enqueue_indirect_dma source(%dma_start3A_33 : memref<1024x64xf32, #tpu.memory_space<hbm>>) target(%dma_start3A_28 : memref<128x64xf32, #tpu.memory_space<vmem>>) offsets(%dma_start3A_30 : memref<128xi32, #tpu.memory_space<vmem>>) semaphore(%arg12 : memref<!tpu.dma_semaphore, #tpu.memory_space<semaphore_mem>>)
    %dma_start3A_34 = arith.constant 512 : i32
    %dma_start3A_35 = arith.constant 0 : i32
    %dma_start3A_36 = tpu.memref_slice %arg9[%dma_start3A_34, %dma_start3A_35] : memref<1152x64xf32, #tpu.memory_space<vmem>> -> memref<128x64xf32, #tpu.memory_space<vmem>>
    %dma_start3A_37 = arith.constant 512 : i32
    %dma_start3A_38 = tpu.memref_slice %arg8[%dma_start3A_37] : memref<1152xi32, #tpu.memory_space<vmem>> -> memref<128xi32, #tpu.memory_space<vmem>>
    %dma_start3A_39 = arith.constant 0 : i32
    %dma_start3A_40 = arith.constant 0 : i32
    %dma_start3A_41 = tpu.memref_slice %arg3[%dma_start3A_39, %dma_start3A_40] : memref<1024x64xf32, #tpu.memory_space<hbm>> -> memref<1024x64xf32, #tpu.memory_space<hbm>>
    tpu.enqueue_indirect_dma source(%dma_start3A_41 : memref<1024x64xf32, #tpu.memory_space<hbm>>) target(%dma_start3A_36 : memref<128x64xf32, #tpu.memory_space<vmem>>) offsets(%dma_start3A_38 : memref<128xi32, #tpu.memory_space<vmem>>) semaphore(%arg12 : memref<!tpu.dma_semaphore, #tpu.memory_space<semaphore_mem>>)
    %dma_start3A_42 = arith.constant 640 : i32
    %dma_start3A_43 = arith.constant 0 : i32
    %dma_start3A_44 = tpu.memref_slice %arg9[%dma_start3A_42, %dma_start3A_43] : memref<1152x64xf32, #tpu.memory_space<vmem>> -> memref<128x64xf32, #tpu.memory_space<vmem>>
    %dma_start3A_45 = arith.constant 640 : i32
    %dma_start3A_46 = tpu.memref_slice %arg8[%dma_start3A_45] : memref<1152xi32, #tpu.memory_space<vmem>> -> memref<128xi32, #tpu.memory_space<vmem>>
    %dma_start3A_47 = arith.constant 0 : i32
    %dma_start3A_48 = arith.constant 0 : i32
    %dma_start3A_49 = tpu.memref_slice %arg3[%dma_start3A_47, %dma_start3A_48] : memref<1024x64xf32, #tpu.memory_space<hbm>> -> memref<1024x64xf32, #tpu.memory_space<hbm>>
    tpu.enqueue_indirect_dma source(%dma_start3A_49 : memref<1024x64xf32, #tpu.memory_space<hbm>>) target(%dma_start3A_44 : memref<128x64xf32, #tpu.memory_space<vmem>>) offsets(%dma_start3A_46 : memref<128xi32, #tpu.memory_space<vmem>>) semaphore(%arg12 : memref<!tpu.dma_semaphore, #tpu.memory_space<semaphore_mem>>)
    %dma_start3A_50 = arith.constant 768 : i32
    %dma_start3A_51 = arith.constant 0 : i32
    %dma_start3A_52 = tpu.memref_slice %arg9[%dma_start3A_50, %dma_start3A_51] : memref<1152x64xf32, #tpu.memory_space<vmem>> -> memref<128x64xf32, #tpu.memory_space<vmem>>
    %dma_start3A_53 = arith.constant 768 : i32
    %dma_start3A_54 = tpu.memref_slice %arg8[%dma_start3A_53] : memref<1152xi32, #tpu.memory_space<vmem>> -> memref<128xi32, #tpu.memory_space<vmem>>
    %dma_start3A_55 = arith.constant 0 : i32
    %dma_start3A_56 = arith.constant 0 : i32
    %dma_start3A_57 = tpu.memref_slice %arg3[%dma_start3A_55, %dma_start3A_56] : memref<1024x64xf32, #tpu.memory_space<hbm>> -> memref<1024x64xf32, #tpu.memory_space<hbm>>
    tpu.enqueue_indirect_dma source(%dma_start3A_57 : memref<1024x64xf32, #tpu.memory_space<hbm>>) target(%dma_start3A_52 : memref<128x64xf32, #tpu.memory_space<vmem>>) offsets(%dma_start3A_54 : memref<128xi32, #tpu.memory_space<vmem>>) semaphore(%arg12 : memref<!tpu.dma_semaphore, #tpu.memory_space<semaphore_mem>>)
    %dma_start3A_58 = arith.constant 896 : i32
    %dma_start3A_59 = arith.constant 0 : i32
    %dma_start3A_60 = tpu.memref_slice %arg9[%dma_start3A_58, %dma_start3A_59] : memref<1152x64xf32, #tpu.memory_space<vmem>> -> memref<128x64xf32, #tpu.memory_space<vmem>>
    %dma_start3A_61 = arith.constant 896 : i32
    %dma_start3A_62 = tpu.memref_slice %arg8[%dma_start3A_61] : memref<1152xi32, #tpu.memory_space<vmem>> -> memref<128xi32, #tpu.memory_space<vmem>>
    %dma_start3A_63 = arith.constant 0 : i32
    %dma_start3A_64 = arith.constant 0 : i32
    %dma_start3A_65 = tpu.memref_slice %arg3[%dma_start3A_63, %dma_start3A_64] : memref<1024x64xf32, #tpu.memory_space<hbm>> -> memref<1024x64xf32, #tpu.memory_space<hbm>>
    tpu.enqueue_indirect_dma source(%dma_start3A_65 : memref<1024x64xf32, #tpu.memory_space<hbm>>) target(%dma_start3A_60 : memref<128x64xf32, #tpu.memory_space<vmem>>) offsets(%dma_start3A_62 : memref<128xi32, #tpu.memory_space<vmem>>) semaphore(%arg12 : memref<!tpu.dma_semaphore, #tpu.memory_space<semaphore_mem>>)
    %dma_start3A_66 = arith.constant 1024 : i32
    %dma_start3A_67 = arith.constant 0 : i32
    %dma_start3A_68 = tpu.memref_slice %arg9[%dma_start3A_66, %dma_start3A_67] : memref<1152x64xf32, #tpu.memory_space<vmem>> -> memref<128x64xf32, #tpu.memory_space<vmem>>
    %dma_start3A_69 = arith.constant 1024 : i32
    %dma_start3A_70 = tpu.memref_slice %arg8[%dma_start3A_69] : memref<1152xi32, #tpu.memory_space<vmem>> -> memref<128xi32, #tpu.memory_space<vmem>>
    %dma_start3A_71 = arith.constant 0 : i32
    %dma_start3A_72 = arith.constant 0 : i32
    %dma_start3A_73 = tpu.memref_slice %arg3[%dma_start3A_71, %dma_start3A_72] : memref<1024x64xf32, #tpu.memory_space<hbm>> -> memref<1024x64xf32, #tpu.memory_space<hbm>>
    tpu.enqueue_indirect_dma source(%dma_start3A_73 : memref<1024x64xf32, #tpu.memory_space<hbm>>) target(%dma_start3A_68 : memref<128x64xf32, #tpu.memory_space<vmem>>) offsets(%dma_start3A_70 : memref<128xi32, #tpu.memory_space<vmem>>) semaphore(%arg12 : memref<!tpu.dma_semaphore, #tpu.memory_space<semaphore_mem>>)
    %eq3A = arith.constant 0 : i32
    %eq3A_74 = arith.cmpi eq, %arg1, %eq3A : i32
    %convert_element_type3A = arith.extui %eq3A_74 : i1 to i32
    %cond3A = arith.constant 0 : i32
    %cond3A_75 = arith.cmpi ne, %convert_element_type3A, %cond3A : i32
    scf.if %cond3A_75 {
      "tpu.region"() ({
        %run_scoped3A = tpu.sem_alloc : memref<!tpu.dma_semaphore, #tpu.memory_space<semaphore_mem>>
        tpu.enqueue_dma source(%arg5 : memref<1024x16xf32, #tpu.memory_space<hbm>>) target(%arg11 : memref<1024x16xf32, #tpu.memory_space<vmem_shared>>) target_semaphore(%run_scoped3A : memref<!tpu.dma_semaphore, #tpu.memory_space<semaphore_mem>>)
        tpu.wait_dma2 semaphore(%run_scoped3A : memref<!tpu.dma_semaphore, #tpu.memory_space<semaphore_mem>>) src(%arg5 : memref<1024x16xf32, #tpu.memory_space<hbm>>) dst(%arg11 : memref<1024x16xf32, #tpu.memory_space<vmem_shared>>)
        tpu.yield
      }) : () -> ()
    } else {
    }
    "tpu.region"() ({
      %run_scoped3A = tpu.sem_alloc : memref<!tpu.dma_semaphore, #tpu.memory_space<semaphore_mem>>
      tpu.enqueue_dma source(%arg4 : memref<1152x16xf32, #tpu.memory_space<hbm>>) target(%arg10 : memref<1152x16xf32, #tpu.memory_space<vmem>>) target_semaphore(%run_scoped3A : memref<!tpu.dma_semaphore, #tpu.memory_space<semaphore_mem>>)
      tpu.wait_dma2 semaphore(%run_scoped3A : memref<!tpu.dma_semaphore, #tpu.memory_space<semaphore_mem>>) src(%arg4 : memref<1152x16xf32, #tpu.memory_space<hbm>>) dst(%arg10 : memref<1152x16xf32, #tpu.memory_space<vmem>>)
      tpu.yield
    }) : () -> ()
    %barrier3A = arith.constant 0 : index
    tpu.barrier barrier_id(%barrier3A)
    "tpu.region"() ({
      %run_scoped3A = tpu.sem_alloc : memref<!tpu.dma_semaphore, #tpu.memory_space<semaphore_mem>>
      %dma_start3A_153 = arith.constant 0 : i32
      %dma_start3A_154 = arith.constant 0 : i32
      %dma_start3A_155 = tpu.memref_slice %arg11[%dma_start3A_153, %dma_start3A_154] : memref<1024x16xf32, #tpu.memory_space<vmem_shared>> -> memref<1024x16xf32, #tpu.memory_space<vmem_shared>>
      tpu.enqueue_indirect_dma source(%arg10 : memref<1152x16xf32, #tpu.memory_space<vmem>>) target(%dma_start3A_155 : memref<1024x16xf32, #tpu.memory_space<vmem_shared>>) offsets(%arg8 : memref<1152xi32, #tpu.memory_space<vmem>>) semaphore(%run_scoped3A : memref<!tpu.dma_semaphore, #tpu.memory_space<semaphore_mem>>) {add = true}
      %dma_wait3A_156 = arith.constant 0 : i32
      %dma_wait3A_157 = arith.constant 0 : i32
      %dma_wait3A_158 = tpu.memref_slice %arg11[%dma_wait3A_156, %dma_wait3A_157] : memref<1024x16xf32, #tpu.memory_space<vmem_shared>> -> memref<1024x16xf32, #tpu.memory_space<vmem_shared>>
      tpu.wait_indirect_dma semaphore(%run_scoped3A : memref<!tpu.dma_semaphore, #tpu.memory_space<semaphore_mem>>) src(%arg10 : memref<1152x16xf32, #tpu.memory_space<vmem>>) dst(%dma_wait3A_158 : memref<1024x16xf32, #tpu.memory_space<vmem_shared>>)
      tpu.yield
    }) : () -> ()
    %barrier3A_76 = arith.constant 0 : index
    tpu.barrier barrier_id(%barrier3A_76)
    %eq3A_77 = arith.constant 0 : i32
    %eq3A_78 = arith.cmpi eq, %arg1, %eq3A_77 : i32
    %convert_element_type3A_79 = arith.extui %eq3A_78 : i1 to i32
    %cond3A_80 = arith.constant 0 : i32
    %cond3A_81 = arith.cmpi ne, %convert_element_type3A_79, %cond3A_80 : i32
    scf.if %cond3A_81 {
      "tpu.region"() ({
        %run_scoped3A = tpu.sem_alloc : memref<!tpu.dma_semaphore, #tpu.memory_space<semaphore_mem>>
        %dma_start3A_153 = arith.constant 0 : i32
        %dma_start3A_154 = arith.constant 0 : i32
        %dma_start3A_155 = tpu.memref_slice %arg7[%arg0, %dma_start3A_153, %dma_start3A_154] : memref<2x1024x16xf32, #tpu.memory_space<hbm>> -> memref<1x1024x16xf32, #tpu.memory_space<hbm>>
        %dma_start3A_156 = tpu.memref_squeeze %dma_start3A_155 : memref<1x1024x16xf32, #tpu.memory_space<hbm>> -> memref<1024x16xf32, #tpu.memory_space<hbm>>
        tpu.enqueue_dma source(%arg11 : memref<1024x16xf32, #tpu.memory_space<vmem_shared>>) target(%dma_start3A_156 : memref<1024x16xf32, #tpu.memory_space<hbm>>) target_semaphore(%run_scoped3A : memref<!tpu.dma_semaphore, #tpu.memory_space<semaphore_mem>>)
        %dma_wait3A_157 = arith.constant 0 : i32
        %dma_wait3A_158 = arith.constant 0 : i32
        %dma_wait3A_159 = tpu.memref_slice %arg7[%arg0, %dma_wait3A_157, %dma_wait3A_158] : memref<2x1024x16xf32, #tpu.memory_space<hbm>> -> memref<1x1024x16xf32, #tpu.memory_space<hbm>>
        %dma_wait3A_160 = tpu.memref_squeeze %dma_wait3A_159 : memref<1x1024x16xf32, #tpu.memory_space<hbm>> -> memref<1024x16xf32, #tpu.memory_space<hbm>>
        tpu.wait_dma2 semaphore(%run_scoped3A : memref<!tpu.dma_semaphore, #tpu.memory_space<semaphore_mem>>) src(%arg11 : memref<1024x16xf32, #tpu.memory_space<vmem_shared>>) dst(%dma_wait3A_160 : memref<1024x16xf32, #tpu.memory_space<hbm>>)
        tpu.yield
      }) : () -> ()
    } else {
    }
    %dma_wait3A = arith.constant 0 : i32
    %dma_wait3A_82 = arith.constant 0 : i32
    %dma_wait3A_83 = tpu.memref_slice %arg9[%dma_wait3A, %dma_wait3A_82] : memref<1152x64xf32, #tpu.memory_space<vmem>> -> memref<128x64xf32, #tpu.memory_space<vmem>>
    %dma_wait3A_84 = arith.constant 0 : i32
    %dma_wait3A_85 = tpu.memref_slice %arg8[%dma_wait3A_84] : memref<1152xi32, #tpu.memory_space<vmem>> -> memref<128xi32, #tpu.memory_space<vmem>>
    %dma_wait3A_86 = arith.constant 0 : i32
    %dma_wait3A_87 = arith.constant 0 : i32
    %dma_wait3A_88 = tpu.memref_slice %arg3[%dma_wait3A_86, %dma_wait3A_87] : memref<1024x64xf32, #tpu.memory_space<hbm>> -> memref<1024x64xf32, #tpu.memory_space<hbm>>
    tpu.wait_indirect_dma semaphore(%arg12 : memref<!tpu.dma_semaphore, #tpu.memory_space<semaphore_mem>>) src(%dma_wait3A_88 : memref<1024x64xf32, #tpu.memory_space<hbm>>) dst(%dma_wait3A_83 : memref<128x64xf32, #tpu.memory_space<vmem>>)
    %dma_wait3A_89 = arith.constant 128 : i32
    %dma_wait3A_90 = arith.constant 0 : i32
    %dma_wait3A_91 = tpu.memref_slice %arg9[%dma_wait3A_89, %dma_wait3A_90] : memref<1152x64xf32, #tpu.memory_space<vmem>> -> memref<128x64xf32, #tpu.memory_space<vmem>>
    %dma_wait3A_92 = arith.constant 128 : i32
    %dma_wait3A_93 = tpu.memref_slice %arg8[%dma_wait3A_92] : memref<1152xi32, #tpu.memory_space<vmem>> -> memref<128xi32, #tpu.memory_space<vmem>>
    %dma_wait3A_94 = arith.constant 0 : i32
    %dma_wait3A_95 = arith.constant 0 : i32
    %dma_wait3A_96 = tpu.memref_slice %arg3[%dma_wait3A_94, %dma_wait3A_95] : memref<1024x64xf32, #tpu.memory_space<hbm>> -> memref<1024x64xf32, #tpu.memory_space<hbm>>
    tpu.wait_indirect_dma semaphore(%arg12 : memref<!tpu.dma_semaphore, #tpu.memory_space<semaphore_mem>>) src(%dma_wait3A_96 : memref<1024x64xf32, #tpu.memory_space<hbm>>) dst(%dma_wait3A_91 : memref<128x64xf32, #tpu.memory_space<vmem>>)
    %dma_wait3A_97 = arith.constant 256 : i32
    %dma_wait3A_98 = arith.constant 0 : i32
    %dma_wait3A_99 = tpu.memref_slice %arg9[%dma_wait3A_97, %dma_wait3A_98] : memref<1152x64xf32, #tpu.memory_space<vmem>> -> memref<128x64xf32, #tpu.memory_space<vmem>>
    %dma_wait3A_100 = arith.constant 256 : i32
    %dma_wait3A_101 = tpu.memref_slice %arg8[%dma_wait3A_100] : memref<1152xi32, #tpu.memory_space<vmem>> -> memref<128xi32, #tpu.memory_space<vmem>>
    %dma_wait3A_102 = arith.constant 0 : i32
    %dma_wait3A_103 = arith.constant 0 : i32
    %dma_wait3A_104 = tpu.memref_slice %arg3[%dma_wait3A_102, %dma_wait3A_103] : memref<1024x64xf32, #tpu.memory_space<hbm>> -> memref<1024x64xf32, #tpu.memory_space<hbm>>
    tpu.wait_indirect_dma semaphore(%arg12 : memref<!tpu.dma_semaphore, #tpu.memory_space<semaphore_mem>>) src(%dma_wait3A_104 : memref<1024x64xf32, #tpu.memory_space<hbm>>) dst(%dma_wait3A_99 : memref<128x64xf32, #tpu.memory_space<vmem>>)
    %dma_wait3A_105 = arith.constant 384 : i32
    %dma_wait3A_106 = arith.constant 0 : i32
    %dma_wait3A_107 = tpu.memref_slice %arg9[%dma_wait3A_105, %dma_wait3A_106] : memref<1152x64xf32, #tpu.memory_space<vmem>> -> memref<128x64xf32, #tpu.memory_space<vmem>>
    %dma_wait3A_108 = arith.constant 384 : i32
    %dma_wait3A_109 = tpu.memref_slice %arg8[%dma_wait3A_108] : memref<1152xi32, #tpu.memory_space<vmem>> -> memref<128xi32, #tpu.memory_space<vmem>>
    %dma_wait3A_110 = arith.constant 0 : i32
    %dma_wait3A_111 = arith.constant 0 : i32
    %dma_wait3A_112 = tpu.memref_slice %arg3[%dma_wait3A_110, %dma_wait3A_111] : memref<1024x64xf32, #tpu.memory_space<hbm>> -> memref<1024x64xf32, #tpu.memory_space<hbm>>
    tpu.wait_indirect_dma semaphore(%arg12 : memref<!tpu.dma_semaphore, #tpu.memory_space<semaphore_mem>>) src(%dma_wait3A_112 : memref<1024x64xf32, #tpu.memory_space<hbm>>) dst(%dma_wait3A_107 : memref<128x64xf32, #tpu.memory_space<vmem>>)
    %dma_wait3A_113 = arith.constant 512 : i32
    %dma_wait3A_114 = arith.constant 0 : i32
    %dma_wait3A_115 = tpu.memref_slice %arg9[%dma_wait3A_113, %dma_wait3A_114] : memref<1152x64xf32, #tpu.memory_space<vmem>> -> memref<128x64xf32, #tpu.memory_space<vmem>>
    %dma_wait3A_116 = arith.constant 512 : i32
    %dma_wait3A_117 = tpu.memref_slice %arg8[%dma_wait3A_116] : memref<1152xi32, #tpu.memory_space<vmem>> -> memref<128xi32, #tpu.memory_space<vmem>>
    %dma_wait3A_118 = arith.constant 0 : i32
    %dma_wait3A_119 = arith.constant 0 : i32
    %dma_wait3A_120 = tpu.memref_slice %arg3[%dma_wait3A_118, %dma_wait3A_119] : memref<1024x64xf32, #tpu.memory_space<hbm>> -> memref<1024x64xf32, #tpu.memory_space<hbm>>
    tpu.wait_indirect_dma semaphore(%arg12 : memref<!tpu.dma_semaphore, #tpu.memory_space<semaphore_mem>>) src(%dma_wait3A_120 : memref<1024x64xf32, #tpu.memory_space<hbm>>) dst(%dma_wait3A_115 : memref<128x64xf32, #tpu.memory_space<vmem>>)
    %dma_wait3A_121 = arith.constant 640 : i32
    %dma_wait3A_122 = arith.constant 0 : i32
    %dma_wait3A_123 = tpu.memref_slice %arg9[%dma_wait3A_121, %dma_wait3A_122] : memref<1152x64xf32, #tpu.memory_space<vmem>> -> memref<128x64xf32, #tpu.memory_space<vmem>>
    %dma_wait3A_124 = arith.constant 640 : i32
    %dma_wait3A_125 = tpu.memref_slice %arg8[%dma_wait3A_124] : memref<1152xi32, #tpu.memory_space<vmem>> -> memref<128xi32, #tpu.memory_space<vmem>>
    %dma_wait3A_126 = arith.constant 0 : i32
    %dma_wait3A_127 = arith.constant 0 : i32
    %dma_wait3A_128 = tpu.memref_slice %arg3[%dma_wait3A_126, %dma_wait3A_127] : memref<1024x64xf32, #tpu.memory_space<hbm>> -> memref<1024x64xf32, #tpu.memory_space<hbm>>
    tpu.wait_indirect_dma semaphore(%arg12 : memref<!tpu.dma_semaphore, #tpu.memory_space<semaphore_mem>>) src(%dma_wait3A_128 : memref<1024x64xf32, #tpu.memory_space<hbm>>) dst(%dma_wait3A_123 : memref<128x64xf32, #tpu.memory_space<vmem>>)
    %dma_wait3A_129 = arith.constant 768 : i32
    %dma_wait3A_130 = arith.constant 0 : i32
    %dma_wait3A_131 = tpu.memref_slice %arg9[%dma_wait3A_129, %dma_wait3A_130] : memref<1152x64xf32, #tpu.memory_space<vmem>> -> memref<128x64xf32, #tpu.memory_space<vmem>>
    %dma_wait3A_132 = arith.constant 768 : i32
    %dma_wait3A_133 = tpu.memref_slice %arg8[%dma_wait3A_132] : memref<1152xi32, #tpu.memory_space<vmem>> -> memref<128xi32, #tpu.memory_space<vmem>>
    %dma_wait3A_134 = arith.constant 0 : i32
    %dma_wait3A_135 = arith.constant 0 : i32
    %dma_wait3A_136 = tpu.memref_slice %arg3[%dma_wait3A_134, %dma_wait3A_135] : memref<1024x64xf32, #tpu.memory_space<hbm>> -> memref<1024x64xf32, #tpu.memory_space<hbm>>
    tpu.wait_indirect_dma semaphore(%arg12 : memref<!tpu.dma_semaphore, #tpu.memory_space<semaphore_mem>>) src(%dma_wait3A_136 : memref<1024x64xf32, #tpu.memory_space<hbm>>) dst(%dma_wait3A_131 : memref<128x64xf32, #tpu.memory_space<vmem>>)
    %dma_wait3A_137 = arith.constant 896 : i32
    %dma_wait3A_138 = arith.constant 0 : i32
    %dma_wait3A_139 = tpu.memref_slice %arg9[%dma_wait3A_137, %dma_wait3A_138] : memref<1152x64xf32, #tpu.memory_space<vmem>> -> memref<128x64xf32, #tpu.memory_space<vmem>>
    %dma_wait3A_140 = arith.constant 896 : i32
    %dma_wait3A_141 = tpu.memref_slice %arg8[%dma_wait3A_140] : memref<1152xi32, #tpu.memory_space<vmem>> -> memref<128xi32, #tpu.memory_space<vmem>>
    %dma_wait3A_142 = arith.constant 0 : i32
    %dma_wait3A_143 = arith.constant 0 : i32
    %dma_wait3A_144 = tpu.memref_slice %arg3[%dma_wait3A_142, %dma_wait3A_143] : memref<1024x64xf32, #tpu.memory_space<hbm>> -> memref<1024x64xf32, #tpu.memory_space<hbm>>
    tpu.wait_indirect_dma semaphore(%arg12 : memref<!tpu.dma_semaphore, #tpu.memory_space<semaphore_mem>>) src(%dma_wait3A_144 : memref<1024x64xf32, #tpu.memory_space<hbm>>) dst(%dma_wait3A_139 : memref<128x64xf32, #tpu.memory_space<vmem>>)
    %dma_wait3A_145 = arith.constant 1024 : i32
    %dma_wait3A_146 = arith.constant 0 : i32
    %dma_wait3A_147 = tpu.memref_slice %arg9[%dma_wait3A_145, %dma_wait3A_146] : memref<1152x64xf32, #tpu.memory_space<vmem>> -> memref<128x64xf32, #tpu.memory_space<vmem>>
    %dma_wait3A_148 = arith.constant 1024 : i32
    %dma_wait3A_149 = tpu.memref_slice %arg8[%dma_wait3A_148] : memref<1152xi32, #tpu.memory_space<vmem>> -> memref<128xi32, #tpu.memory_space<vmem>>
    %dma_wait3A_150 = arith.constant 0 : i32
    %dma_wait3A_151 = arith.constant 0 : i32
    %dma_wait3A_152 = tpu.memref_slice %arg3[%dma_wait3A_150, %dma_wait3A_151] : memref<1024x64xf32, #tpu.memory_space<hbm>> -> memref<1024x64xf32, #tpu.memory_space<hbm>>
    tpu.wait_indirect_dma semaphore(%arg12 : memref<!tpu.dma_semaphore, #tpu.memory_space<semaphore_mem>>) src(%dma_wait3A_152 : memref<1024x64xf32, #tpu.memory_space<hbm>>) dst(%dma_wait3A_147 : memref<128x64xf32, #tpu.memory_space<vmem>>)
    "tpu.region"() ({
      %run_scoped3A = tpu.sem_alloc : memref<!tpu.dma_semaphore, #tpu.memory_space<semaphore_mem>>
      %dma_start3A_153 = arith.constant 0 : i32
      %dma_start3A_154 = tpu.memref_slice %arg6[%mul3A_2, %dma_start3A_153] : memref<36864x64xf32, #tpu.memory_space<hbm>> -> memref<1152x64xf32, #tpu.memory_space<hbm>>
      %dma_start3A_155 = arith.constant 0 : i32
      %dma_start3A_156 = tpu.memref_slice %arg6[%mul3A_2, %dma_start3A_155] : memref<36864x64xf32, #tpu.memory_space<hbm>> -> memref<1152x64xf32, #tpu.memory_space<hbm>>
      tpu.enqueue_dma source(%arg9 : memref<1152x64xf32, #tpu.memory_space<vmem>>) target(%dma_start3A_156 : memref<1152x64xf32, #tpu.memory_space<hbm>>) target_semaphore(%run_scoped3A : memref<!tpu.dma_semaphore, #tpu.memory_space<semaphore_mem>>)
      %dma_wait3A_157 = arith.constant 0 : i32
      %dma_wait3A_158 = tpu.memref_slice %arg6[%mul3A_2, %dma_wait3A_157] : memref<36864x64xf32, #tpu.memory_space<hbm>> -> memref<1152x64xf32, #tpu.memory_space<hbm>>
      %dma_wait3A_159 = arith.constant 0 : i32
      %dma_wait3A_160 = tpu.memref_slice %arg6[%mul3A_2, %dma_wait3A_159] : memref<36864x64xf32, #tpu.memory_space<hbm>> -> memref<1152x64xf32, #tpu.memory_space<hbm>>
      tpu.wait_dma2 semaphore(%run_scoped3A : memref<!tpu.dma_semaphore, #tpu.memory_space<semaphore_mem>>) src(%arg9 : memref<1152x64xf32, #tpu.memory_space<vmem>>) dst(%dma_wait3A_160 : memref<1152x64xf32, #tpu.memory_space<hbm>>)
      tpu.yield
    }) : () -> ()
    return
  }
}

module attributes {stable_mosaic.version = 14 : i64} {
  func.func @_vq_tc_body(%arg0: i32, %arg1: memref<64x6144xf32, #tpu.memory_space<vmem>>, %arg2: memref<1024x64xf32, #tpu.memory_space<vmem>>, %arg3: memref<1x1x6144xi32, #tpu.memory_space<vmem>>, %arg4: memref<1x1xf32, #tpu.memory_space<vmem>>, %arg5: memref<1x1xf32, #tpu.memory_space<vmem>>) attributes {dimension_semantics = [#tpu.dimension_semantics<arbitrary>], iteration_bounds = array<i64: 6>, scalar_prefetch = 0 : i64, scratch_operands = 1 : i64, tpu.core_type = #tpu.core_type<tc>, window_params = [{transform_indices = @transform_0, window_bounds = array<i64: 64, 6144>}, {pipeline_mode = #tpu.pipeline_mode<synchronous>, transform_indices = @transform_1, window_bounds = array<i64: 1024, 64>}, {transform_indices = @transform_2, window_bounds = array<i64: 1, 1, 6144>}, {pipeline_mode = #tpu.pipeline_mode<synchronous>, transform_indices = @transform_3, window_bounds = array<i64: 1, 1>}]} {
    %eq3A = arith.constant 0 : i32
    %eq3A_0 = arith.cmpi eq, %arg0, %eq3A : i32
    %convert_element_type3A = arith.extui %eq3A_0 : i1 to i32
    %cond3A = arith.constant 0 : i32
    %cond3A_1 = arith.cmpi ne, %convert_element_type3A, %cond3A : i32
    scf.if %cond3A_1 {
      %broadcast_in_dim3A_52 = arith.constant 0.000000e+00 : f32
      %broadcast_in_dim3A_53 = vector.broadcast %broadcast_in_dim3A_52 : f32 to vector<1x1xf32>
      %swap3A_54 = arith.constant 0 : index
      %swap3A_55 = arith.constant 0 : index
      %swap3A_56 = vector.load %arg5[%swap3A_54, %swap3A_55] : memref<1x1xf32, #tpu.memory_space<vmem>>, vector<1x1xf32>
      tpu.vector_store %arg5[%swap3A_54, %swap3A_55], %broadcast_in_dim3A_53 {strides = array<i32>} : memref<1x1xf32, #tpu.memory_space<vmem>>, vector<1x1xf32>,
    } else {
    }
    %get3A = arith.constant 0 : index
    %get3A_2 = arith.constant 0 : index
    %get3A_3 = vector.load %arg2[%get3A, %get3A_2] : memref<1024x64xf32, #tpu.memory_space<vmem>>, vector<1024x64xf32>
    %mul3A = arith.mulf %get3A_3, %get3A_3 : vector<1024x64xf32>
    %reduce_sum3A = arith.constant dense<0.000000e+00> : vector<1024xf32>
    %reduce_sum3A_4 = vector.multi_reduction <add>, %mul3A, %reduce_sum3A [1] : vector<1024x64xf32> to vector<1024xf32>
    %broadcast_in_dim3A = vector.shape_cast %reduce_sum3A_4 : vector<1024xf32> to vector<1024x1xf32>
    %iota3A = tpu.iota {dimensions = array<i32: 0>} : vector<1024x1xi32>
    %convert_element_type3A_5 = arith.sitofp %iota3A : vector<1024x1xi32> to vector<1024x1xf32>
    %get3A_6 = arith.constant 0 : index
    %get3A_7 = arith.constant 0 : index
    %get3A_8 = vector.load %arg1[%get3A_6, %get3A_7] : memref<64x6144xf32, #tpu.memory_space<vmem>>, vector<64x6144xf32>
    %mul3A_9 = arith.mulf %get3A_8, %get3A_8 : vector<64x6144xf32>
    %reduce_sum3A_10 = arith.constant dense<0.000000e+00> : vector<6144xf32>
    %reduce_sum3A_11 = vector.multi_reduction <add>, %mul3A_9, %reduce_sum3A_10 [0] : vector<64x6144xf32> to vector<6144xf32>
    %broadcast_in_dim3A_12 = vector.shape_cast %reduce_sum3A_11 : vector<6144xf32> to vector<1x6144xf32>
    %mul3A_13 = arith.constant -2.000000e+00 : f32
    %mul3A_14 = vector.broadcast %mul3A_13 : f32 to vector<1024x64xf32>
    %mul3A_15 = arith.mulf %mul3A_14, %get3A_3 : vector<1024x64xf32>
    %dot_general3A = arith.constant dense<0.000000e+00> : vector<1024x6144xf32>
    %dot_general3A_16 = tpu.matmul %mul3A_15, %get3A_8, %dot_general3A {dimension_numbers = #tpu.dot_dimension_numbers<[1], [0], [0], [1], [0, 0, 1, 1], [], []>, transpose_lhs_hint = false} : vector<1024x64xf32>, vector<64x6144xf32>, vector<1024x6144xf32> -> vector<1024x6144xf32>
    %add3A = vector.broadcast %broadcast_in_dim3A_12 : vector<1x6144xf32> to vector<1024x6144xf32>
    %add3A_17 = vector.broadcast %broadcast_in_dim3A : vector<1024x1xf32> to vector<1024x6144xf32>
    %add3A_18 = arith.addf %add3A, %add3A_17 : vector<1024x6144xf32>
    %add3A_19 = arith.addf %add3A_18, %dot_general3A_16 : vector<1024x6144xf32>
    %reduce_min3A = arith.constant dense<0x7F800000> : vector<6144xf32>
    %reduce_min3A_20 = vector.multi_reduction <minimumf>, %add3A_19, %reduce_min3A [0] : vector<1024x6144xf32> to vector<6144xf32>
    %broadcast_in_dim3A_21 = vector.shape_cast %reduce_min3A_20 : vector<6144xf32> to vector<1x6144xf32>
    %eq3A_22 = vector.broadcast %broadcast_in_dim3A_21 : vector<1x6144xf32> to vector<1024x6144xf32>
    %eq3A_23 = arith.cmpf oeq, %add3A_19, %eq3A_22 : vector<1024x6144xf32>
    %jit3A = arith.constant 1.024000e+03 : f32
    %broadcast_in_dim3A_24 = vector.shape_cast %convert_element_type3A_5 : vector<1024x1xf32> to vector<1024x1xf32>
    %broadcast_in_dim3A_25 = vector.broadcast %broadcast_in_dim3A_24 : vector<1024x1xf32> to vector<1024x6144xf32>
    %broadcast_in_dim3A_26 = vector.broadcast %jit3A : f32 to vector<1024x6144xf32>
    %select_n3A = arith.select %eq3A_23, %broadcast_in_dim3A_25, %broadcast_in_dim3A_26 : vector<1024x6144xi1>, vector<1024x6144xf32>
    %reduce_min3A_27 = arith.constant dense<0x7F800000> : vector<6144xf32>
    %reduce_min3A_28 = vector.multi_reduction <minimumf>, %select_n3A, %reduce_min3A_27 [0] : vector<1024x6144xf32> to vector<6144xf32>
    %broadcast_in_dim3A_29 = vector.shape_cast %reduce_min3A_28 : vector<6144xf32> to vector<1x6144xf32>
    %convert_element_type3A_30 = arith.fptosi %broadcast_in_dim3A_29 : vector<1x6144xf32> to vector<1x6144xi32>
    %reshape3A = vector.shape_cast %convert_element_type3A_30 : vector<1x6144xi32> to vector<1x1x6144xi32>
    %swap3A = arith.constant 0 : index
    %swap3A_31 = arith.constant 0 : index
    %swap3A_32 = arith.constant 0 : index
    %swap3A_33 = vector.load %arg3[%swap3A, %swap3A_31, %swap3A_32] : memref<1x1x6144xi32, #tpu.memory_space<vmem>>, vector<1x1x6144xi32>
    tpu.vector_store %arg3[%swap3A, %swap3A_31, %swap3A_32], %reshape3A {strides = array<i32>} : memref<1x1x6144xi32, #tpu.memory_space<vmem>>, vector<1x1x6144xi32>,
    %get3A_34 = arith.constant 0 : index
    %get3A_35 = arith.constant 0 : index
    %get3A_36 = vector.load %arg5[%get3A_34, %get3A_35] : memref<1x1xf32, #tpu.memory_space<vmem>>, vector<1x1xf32>
    %reduce_sum3A_37 = vector.shape_cast %broadcast_in_dim3A_21 : vector<1x6144xf32> to vector<1x1x6144xf32>
    %reduce_sum3A_38 = arith.constant dense<0.000000e+00> : vector<1xf32>
    %reduce_sum3A_39 = vector.multi_reduction <add>, %reduce_sum3A_37, %reduce_sum3A_38 [1, 2] : vector<1x1x6144xf32> to vector<1xf32>
    %reduce_sum3A_40 = vector.shape_cast %reduce_sum3A_39 : vector<1xf32> to vector<1x1x1xf32>
    %reduce_sum3A_41 = vector.extract %reduce_sum3A_40[0, 0, 0] : f32 from vector<1x1x1xf32>
    %broadcast_in_dim3A_42 = vector.broadcast %reduce_sum3A_41 : f32 to vector<1x1xf32>
    %add3A_43 = arith.addf %get3A_36, %broadcast_in_dim3A_42 : vector<1x1xf32>
    %swap3A_44 = arith.constant 0 : index
    %swap3A_45 = arith.constant 0 : index
    %swap3A_46 = vector.load %arg5[%swap3A_44, %swap3A_45] : memref<1x1xf32, #tpu.memory_space<vmem>>, vector<1x1xf32>
    tpu.vector_store %arg5[%swap3A_44, %swap3A_45], %add3A_43 {strides = array<i32>} : memref<1x1xf32, #tpu.memory_space<vmem>>, vector<1x1xf32>,
    %eq3A_47 = arith.constant 5 : i32
    %eq3A_48 = arith.cmpi eq, %arg0, %eq3A_47 : i32
    %convert_element_type3A_49 = arith.extui %eq3A_48 : i1 to i32
    %cond3A_50 = arith.constant 0 : i32
    %cond3A_51 = arith.cmpi ne, %convert_element_type3A_49, %cond3A_50 : i32
    scf.if %cond3A_51 {
      %get3A_52 = arith.constant 0 : index
      %get3A_53 = arith.constant 0 : index
      %get3A_54 = vector.load %arg5[%get3A_52, %get3A_53] : memref<1x1xf32, #tpu.memory_space<vmem>>, vector<1x1xf32>
      %mul3A_55 = arith.constant 5.2981909E-7 : f32
      %mul3A_56 = vector.broadcast %mul3A_55 : f32 to vector<1x1xf32>
      %mul3A_57 = arith.mulf %get3A_54, %mul3A_56 : vector<1x1xf32>
      %swap3A_58 = arith.constant 0 : index
      %swap3A_59 = arith.constant 0 : index
      %swap3A_60 = vector.load %arg4[%swap3A_58, %swap3A_59] : memref<1x1xf32, #tpu.memory_space<vmem>>, vector<1x1xf32>
      tpu.vector_store %arg4[%swap3A_58, %swap3A_59], %mul3A_57 {strides = array<i32>} : memref<1x1xf32, #tpu.memory_space<vmem>>, vector<1x1xf32>,
    } else {
    }
    return
  }
  func.func @transform_0(%arg0: i32) -> (i32, i32) {
    %c0_i32 = arith.constant 0 : i32
    %c0_i32_0 = arith.constant 0 : i32
    return %c0_i32, %arg0 : i32, i32
  }
  func.func @transform_1(%arg0: i32) -> (i32, i32) {
    %c0_i32 = arith.constant 0 : i32
    %c0_i32_0 = arith.constant 0 : i32
    %c0_i32_1 = arith.constant 0 : i32
    return %c0_i32, %c0_i32_0 : i32, i32
  }
  func.func @transform_2(%arg0: i32) -> (i32, i32, i32) {
    %c0_i32 = arith.constant 0 : i32
    %c0_i32_0 = arith.constant 0 : i32
    %c0_i32_1 = arith.constant 0 : i32
    return %arg0, %c0_i32, %c0_i32_0 : i32, i32, i32
  }
  func.func @transform_3(%arg0: i32) -> (i32, i32) {
    %c0_i32 = arith.constant 0 : i32
    %c0_i32_0 = arith.constant 0 : i32
    %c0_i32_1 = arith.constant 0 : i32
    return %c0_i32, %c0_i32_0 : i32, i32
  }
}

module attributes {stable_mosaic.version = 14 : i64} {
  func.func @_perp_tc_body(%arg0: memref<2x1024x16xf32, #tpu.memory_space<vmem>>, %arg1: memref<1x1xf32, #tpu.memory_space<vmem>>) attributes {dimension_semantics = [], scalar_prefetch = 0 : i64, scratch_operands = 0 : i64, tpu.core_type = #tpu.core_type<tc>} {
    %get3A = arith.constant 0 : index
    %get3A_0 = arith.constant 0 : index
    %get3A_1 = arith.constant 0 : index
    %get3A_2 = vector.load %arg0[%get3A, %get3A_0, %get3A_1] : memref<2x1024x16xf32, #tpu.memory_space<vmem>>, vector<2x1024x16xf32>
    %reduce_sum3A = arith.constant dense<0.000000e+00> : vector<1024x16xf32>
    %reduce_sum3A_3 = vector.multi_reduction <add>, %get3A_2, %reduce_sum3A [0] : vector<2x1024x16xf32> to vector<1024x16xf32>
    %reduce_sum3A_4 = arith.constant dense<0.000000e+00> : vector<1024xf32>
    %reduce_sum3A_5 = vector.multi_reduction <add>, %reduce_sum3A_3, %reduce_sum3A_4 [1] : vector<1024x16xf32> to vector<1024xf32>
    %broadcast_in_dim3A = vector.shape_cast %reduce_sum3A_5 : vector<1024xf32> to vector<1024x1xf32>
    %mul3A = arith.constant 1.69542102E-6 : f32
    %mul3A_6 = vector.broadcast %mul3A : f32 to vector<1024x1xf32>
    %mul3A_7 = arith.mulf %broadcast_in_dim3A, %mul3A_6 : vector<1024x1xf32>
    %add3A = arith.constant 1.000000e-10 : f32
    %add3A_8 = vector.broadcast %add3A : f32 to vector<1024x1xf32>
    %add3A_9 = arith.addf %mul3A_7, %add3A_8 : vector<1024x1xf32>
    %log3A = math.log %add3A_9 : vector<1024x1xf32>
    %mul3A_10 = arith.mulf %mul3A_7, %log3A : vector<1024x1xf32>
    %reduce_sum3A_11 = vector.shape_cast %mul3A_10 : vector<1024x1xf32> to vector<1x1024x1xf32>
    %reduce_sum3A_12 = arith.constant dense<0.000000e+00> : vector<1xf32>
    %reduce_sum3A_13 = vector.multi_reduction <add>, %reduce_sum3A_11, %reduce_sum3A_12 [1, 2] : vector<1x1024x1xf32> to vector<1xf32>
    %reduce_sum3A_14 = vector.shape_cast %reduce_sum3A_13 : vector<1xf32> to vector<1x1x1xf32>
    %reduce_sum3A_15 = vector.extract %reduce_sum3A_14[0, 0, 0] : f32 from vector<1x1x1xf32>
    %broadcast_in_dim3A_16 = vector.broadcast %reduce_sum3A_15 : f32 to vector<1x1xf32>
    %neg3A = arith.constant 0.000000e+00 : f32
    %neg3A_17 = vector.broadcast %neg3A : f32 to vector<1x1xf32>
    %neg3A_18 = arith.subf %neg3A_17, %broadcast_in_dim3A_16 : vector<1x1xf32>
    %exp3A = math.exp %neg3A_18 : vector<1x1xf32>
    %swap3A = arith.constant 0 : index
    %swap3A_19 = arith.constant 0 : index
    %swap3A_20 = vector.load %arg1[%swap3A, %swap3A_19] : memref<1x1xf32, #tpu.memory_space<vmem>>, vector<1x1xf32>
    tpu.vector_store %arg1[%swap3A, %swap3A_19], %exp3A {strides = array<i32>} : memref<1x1xf32, #tpu.memory_space<vmem>>, vector<1x1xf32>,
    return
  }
}

</mosaic_0001>

<sc_bundles>
// kernel: kernel.5.cloned.1.call-start
scs
__scs_entry_jumppad:
0x0: {  	(pc) =	sbr.rel $0x88, $3  }
0x1: {  	(tag) =	ssettag $0x0;
	lr =	simm.s32 $0x1  }
0x2: {  	[smem:$0x3F9F] =	sst lr;
	_ =	strace $0xD0000000  }
0x3: {  	_ = 	snop  }
0x4: {  	_ = 	snop  }
0x5: {  	_ = 	snop  }
0x6: {  	_ = 	snop  }
0x7: {  	_ = 	snop  }
__scs_overlays_trampoline_lowered:
0x8: {  	[smem:$0x3FAE] =	sst s0  }
0x9: {  	[smem:$0x3FAF] =	sst s1  }
0xa: {  	[smem:$0x3FB0] =	sst s2  }
0xb: {  	[smem:$0x3FB1] =	sst s3  }
0xc: {  	[smem:$0x3FB2] =	sst s4  }
0xd: {  	[smem:$0x3FB3] =	sst s5  }
0xe: {  	[smem:$0x3FB4] =	sst s6  }
0xf: {  	[smem:$0x3FB5] =	sst s7  }
0x10: {  	[smem:$0x3FB6] =	sst s8  }
0x11: {  	[smem:$0x3FB7] =	sst s9;
	s0 =	simm.s32 @!p0 $0x0  }
0x12: {  	s1 =	sld [smem:$0x3F9D];
	s0 =	simm.s32 @p0 $0x1  }
0x13: {  	[smem:$0x3FB8] =	sst s0;
	s0 =	simm.s32 @!p1 $0x0  }
0x14: {  	s2 =	sld [smem:$0x3F9C];
	s0 =	simm.s32 @p1 $0x1  }
0x15: {  	[smem:$0x3FB9] =	sst s0;
	s0 =	simm.s32 @!p2 $0x0  }
0x16: {  	s3 =	sld [smem:$0x3FDB];
	s0 =	simm.s32 @p2 $0x1  }
0x17: {  	s4 =	simm.s32 $0x1BF5;
	[smem:$0x3FBB] =	sst s0  }
0x18: {  	s0 =	sld [smem:$0x3F9E];
	_ =	swait.ge [sflag:s4], $0x0  }
0x19: {  	s7 =	sld [smem:$0x3F9F]  }
0x1a: {  	s8 =	sadd.s32 $0xFFFFE003, lr  }
0x1b: {  	s9 =	sadd.s32 $0xFFFFFEF7, lr;
	s5 =	simm.s32 $0xFFFFFFFF;
	p2 =	slt.u32 s8, $0xFFFFF086  }
0x1c: {  	p1 =	slt.u32 s9, $0xF7A;
	s5 =	simm.s32 @!p2 $0x0  }
0x1d: {  	s5 =	simm.s32 @p1 $0x1;
	p0 =	seq.s32 s7, s2  }
0x1e: {  	s7 =	smul.u32 @!p0 $0xF7A, s2;
	p2 =	seq.s32 @!p0 s5, $0x0  }
0x1f: {  	s9 =	smul.u32 $0xF7A, s1;
	s8 =	simm.s32 @!p0 $0x1BF5;
	p2 =	por !p2, p0  }
0x20: {  	[sflag:s8] =	ssyncset.s32 @!p0 $0xFFFFF086;
	s6 =	sadd.s32 @!p0 s3, s7;
	s7 =	simm.s32 @!p0 $0x108  }
0x21: {  	s3 =	sadd.s32 s3, s9;
	s6 =	sadd.s32 @!p0 $0x88, s6;
	s7 =	simm.s32 @p2 $0x1082  }
0x22: {  	[simem:s7], [sflag:s8] =	dma.local @!p0 [hbm:s6], $0xF7A  }
0x23: {  	s9 =	sor.u32 $0xD0000000, s2;
	s6 =	simm.s32 $0x108;
	_ =	swait.ge @!p0 [sflag:s8], $0x0  }
0x24: {  	s3 =	sadd.s32 $0x88, s3;
	s6 =	simm.s32 @!p1 $0x1082;
	[sflag:s4] =	ssyncset.s32 $0xFFFFF086  }
0x25: {  	[simem:s6], [sflag:s4] =	dma.local [hbm:s3], $0xF7A  }
0x26: {  	[smem:$0x3F9F] =	sst s1;
	(tag) =	ssettag s2;
	_ =	strace s9  }
0x27: {  	s1 =	sld [smem:$0x3FAF]  }
0x28: {  	s2 =	sld [smem:$0x3FB0]  }
0x29: {  	s4 =	sld [smem:$0x3FB2]  }
0x2a: {  	p0 =	seq.s32 s5, $0x0;
	s5 =	sld [smem:$0x3FB3]  }
0x2b: {  	s6 =	sld [smem:$0x3FB4]  }
0x2c: {  	s7 =	sld [smem:$0x3FB5]  }
0x2d: {  	s3 =	simm.s32 $0x108;
	s8 =	sld [smem:$0x3FB6]  }
0x2e: {  	s3 =	simm.s32 @!p0 $0x1082;
	s9 =	sld [smem:$0x3FB7]  }
0x2f: {  	lr =	sadd.s32 s0, s3;
	s0 =	sld [smem:$0x3FAE]  }
0x30: {  	s3 =	sld [smem:$0x3FB1]  }
0x31: {  	[smem:$0x3FBA] =	sst s10  }
0x32: {  	s10 =	sld [smem:$0x3FB8];
	_ =	sdelay $0x3  }
0x33: {  	p0 =	seq.s32 s10, $0x1;
	s10 =	sld [smem:$0x3FBA];
	_ =	sdelay $0x3  }
0x34: {  	[smem:$0x3FBA] =	sst s10  }
0x35: {  	s10 =	sld [smem:$0x3FB9];
	_ =	sdelay $0x3  }
0x36: {  	p1 =	seq.s32 s10, $0x1;
	s10 =	sld [smem:$0x3FBA];
	_ =	sdelay $0x3  }
0x37: {  	[smem:$0x3FBA] =	sst s10  }
0x38: {  	s10 =	sld [smem:$0x3FBB]  }
0x39: {  	_ = 	snop;
	(pc) =	sbr.ind lr, $3  }
0x3a: {  	_ = 	snop  }
0x3b: {  	_ = 	snop  }
0x3c: {  	p2 =	seq.s32 s10, $0x1;
	s10 =	sld [smem:$0x3FBA]  }
0x3d: {  	_ =	shalt  }
0x3e: {  	_ =	shalt  }
0x3f: {  	_ =	shalt  }
0x40: {  	_ =	shalt  }
0x41: {  	_ =	shalt  }
0x42: {  	_ =	shalt  }
0x43: {  	_ =	shalt  }
0x44: {  	_ =	shalt  }
0x45: {  	_ =	shalt  }
0x46: {  	_ =	shalt  }
0x47: {  	_ =	shalt  }
0x48: {  	_ =	shalt  }
0x49: {  	_ =	shalt  }
0x4a: {  	_ =	shalt  }
0x4b: {  	_ =	shalt  }
0x4c: {  	_ =	shalt  }
0x4d: {  	_ =	shalt  }
0x4e: {  	_ =	shalt  }
0x4f: {  	_ =	shalt  }
0x50: {  	_ =	shalt  }
0x51: {  	_ =	shalt  }
0x52: {  	_ =	shalt  }
0x53: {  	_ =	shalt  }
0x54: {  	_ =	shalt  }
0x55: {  	_ =	shalt  }
0x56: {  	_ =	shalt  }
0x57: {  	_ =	shalt  }
0x58: {  	_ =	shalt  }
0x59: {  	_ =	shalt  }
0x5a: {  	_ =	shalt  }
0x5b: {  	_ =	shalt  }
0x5c: {  	_ =	shalt  }
0x5d: {  	_ =	shalt  }
0x5e: {  	_ =	shalt  }
0x5f: {  	_ =	shalt  }
0x60: {  	_ =	shalt  }
0x61: {  	_ =	shalt  }
0x62: {  	_ =	shalt  }
0x63: {  	_ =	shalt  }
0x64: {  	_ =	shalt  }
0x65: {  	_ =	shalt  }
0x66: {  	_ =	shalt  }
0x67: {  	_ =	shalt  }
0x68: {  	_ =	shalt  }
0x69: {  	_ =	shalt  }
0x6a: {  	_ =	shalt  }
0x6b: {  	_ =	shalt  }
0x6c: {  	_ =	shalt  }
0x6d: {  	_ =	shalt  }
0x6e: {  	_ =	shalt  }
0x6f: {  	_ =	shalt  }
0x70: {  	_ =	shalt  }
0x71: {  	_ =	shalt  }
0x72: {  	_ =	shalt  }
0x73: {  	_ =	shalt  }
0x74: {  	_ =	shalt  }
0x75: {  	_ =	shalt  }
0x76: {  	_ =	shalt  }
0x77: {  	_ =	shalt  }
0x78: {  	_ =	shalt  }
0x79: {  	_ =	shalt  }
0x7a: {  	_ =	shalt  }
0x7b: {  	_ =	shalt  }
0x7c: {  	_ =	shalt  }
0x7d: {  	_ =	shalt  }
0x7e: {  	_ =	shalt  }
0x7f: {  	_ =	shalt  }
0x80: {  	_ =	shalt  }
0x81: {  	_ =	shalt  }
0x82: {  	_ =	shalt  }
0x83: {  	_ =	shalt  }
0x84: {  	_ =	shalt  }
0x85: {  	_ =	shalt  }
0x86: {  	_ =	shalt  }
0x87: {  	_ =	shalt  }
.Lfunc_end0:
.L_simem_size_0:
called_computation_lowered:
.L_overlay_start_0:
0x88: {  	s2 =	sld [smem:$0x3FD9]  }
0x89: {  	s3 =	sld [smem:$0x3FFE];
	_ =	sdelay $0x1  }
0x8a: {  	s1 =	srdreg.scid  }
0x8b: {  	s0 =	sand.u32 $0x1, s1  }
0x8c: {  	s14 =	sshll.u32 s0, $0xA;
	s2 =	sadd.s32 s3, s2  }
0x8d: {  	s2 =	sadd.s32 s2, s14  }
0x8e: {  	[smem:$0x3FC6] =	sst s2  }
0x8f: {  	_ = 	snop  }
0x90: {  	s2 =	sld [smem:$0x3FD0];
	_ =	sdelay $0x2  }
0x91: {  	s15 =	simm.s32 $0xA;
	s4 =	simm.s32 $0x10  }
0x92: {  	[smem:s4], [sflag:s15] =	dma.local [hbm:s2], $0x1  }
0x93: {  	_ =	swait.eq [sflag:s15], $0x1  }
0x94: {  	[sflag:s15] =	ssyncset.done $0x0  }
0x95: {  	s16 =	sld [smem:$0x10];
	[sflag:s15] =	ssyncadd.s32 $0xFFFFFFFF  }
0x96: {  	s17 =	sld [smem:$0x12];
	(tm) =	ssettm $0x1  }
0x97: {  	s18 =	sld [smem:$0x3FFB];
	_ =	sdelay $0x3  }
0x98: {  	_ =	strace s18  }
0x99: {  	s4 =	sld [smem:$0x3FFC];
	_ =	sdelay $0x3  }
0x9a: {  	_ =	strace s4  }
0x9b: {  	s4 =	sld [smem:$0x3FFD];
	_ =	sdelay $0x3  }
0x9c: {  	_ =	strace s4  }
0x9d: {  	_ =	strace $0x8FFFFFFF  }
0x9e: {  	s19 =	sld [smem:$0x3FDB];
	_ =	sdelay $0x1  }
0x9f: {  	s5 =	simm.s32 $_scs_section_size  }
0xa0: {  	s6 =	simm.s32 $_size__tile_overlayer_lowered;
	s7 =	simm.s32 $_tile_overlayer_lowered  }
0xa1: {  	s22 =	simm.s32 $0x1BFF;
	s21 =	sshll.u32 s7, $0x1;
	s4 =	sadd.s32 s5, s19  }
0xa2: {  	s8 =	simm.s32 $0x0;
	s20 =	sshll.u32 s6, $0x1;
	s6 =	sadd.s32 s21, s4  }
0xa3: {  	[timem:s8], [sflag:s22] =	dma.local [hbm:s6], s20  }
0xa4: {  	_ =	swait.ge [sflag:s22], s20  }
0xa5: {  	s5 =	ssub.s32 $0x0, s20;
	[sflag:s22] =	ssyncset.done $0x0  }
0xa6: {  	[sflag:s22] =	ssyncadd.s32 s5;
	_ =	sdelay $0x1  }
0xa7: {  	s23 =	simm.s32 $0x1B8B  }
0xa8: {  	_ =	swait.ge [sflag:s23], $0x1  }
0xa9: {  	[sflag:s23] =	ssyncset.done $0x0  }
0xaa: {  	s25 =	simm.s32 $0x1B8E;
	s24 =	sld [smem:$0x3FFE];
	[sflag:s23] =	ssyncadd.s32 $0xFFFFFFFF  }
0xab: {  	s26 =	simm.s32 $execute0_lowered;
	[smem:$0x3FD2] =	sst s25  }
0xac: {  	s6 =	sshll.u32 s26, $0x1;
	_ =	strace $0x80000046;
	[dreg:$0x1] =	wrdreg $0xFFFFFFFF  }
0xad: {  	s28 =	simm.s32 $_size_execute0_lowered;
	s4 =	sadd.s32 s4, s6;
	[dreg:$0x0] =	wrdreg $0x0  }
0xae: {  	s6 =	sshll.u32 s28, $0x1;
	[dreg:$0x2] =	wrdreg s4  }
0xaf: {  	[dreg:$0x3] =	wrdreg s6  }
0xb0: {  	[dreg:$0x4] =	wrdreg $0xC0  }
0xb1: {  	_ =	task [dreg:s8], $0x5FFFF  }
0xb2: {  	[dreg:$0x1] =	wrdreg $0xFFFFFFFF  }
0xb3: {  	[dreg:$0x0] =	wrdreg $0x60  }
0xb4: {  	[dreg:$0x2] =	wrdreg s17  }
0xb5: {  	[dreg:$0x3] =	wrdreg s24  }
0xb6: {  	[dreg:$0x4] =	wrdreg s16  }
0xb7: {  	[dreg:$0x5] =	wrdreg $0x16C800  }
0xb8: {  	[dreg:$0x6] =	wrdreg $0x9  }
0xb9: {  	_ =	task.clear_ibuf [dreg:s8], $0x7FFFF;
	_ =	strace $0x90000046  }
0xba: {  	s29 =	simm.s32 $0x9;
	_ =	strace $0x80000048  }
0xbb: {  	_ =	swait.ge [sflag:s29], $0x1  }
0xbc: {  	[sflag:s29] =	ssyncadd.s32 $0xFFFFFFFF  }
0xbd: {  	_ =	strace $0x90000048  }
0xbe: {  	_ =	sfence  }
0xbf: {  	s30 =	sld [smem:$0x0];
	_ =	sdelay $0x2  }
0xc0: {  	s31 =	sshll.u32 s1, $0xD;
	s1 =	sshrl.u32 s1, $0x2  }
0xc1: {  	s3 =	sand.u32 $0x4000, s31;
	s1 =	sadd.s32 s1, s30  }
0xc2: {  	s0 =	sor.u32 s3, s0;
	s1 =	sshll.u32 s1, $0x11  }
0xc3: {  	s0 =	sor.u32 s1, s0  }
0xc4: {  	s0 =	sadd.s32 $0x8F2B, s0  }
0xc5: {  	[sflag:s0] =	ssyncadd.remote.s32 $0x1  }
0xc6: {  	_ =	sfence.sel $0xFFFF  }
0xc7: {  	[dreg:$0x0] =	wrdreg $0xFFFFFFFF;
	(pc) =	sbr.abs _section_cstart, $3  }
0xc8: {  	[dreg:$0x1] =	wrdreg $0xFFFFFFFF  }
0xc9: {  	_ =	task.clear_ibuf [dreg:s8], $0x2FFFF;
	_ =	strace $0x9FFFFFFF  }
0xca: {  	(tm) =	ssettm $0x7FFFFFFF  }
0xcb: {  	_ =	shalt  }
tec
execute0_lowered:
.L_overlay_start_1:
0x0: {  	(tag) =	ssettag $0x1  }
0x1: {  	s0 =	rddreg [dreg:$0x0]  }
0x2: {  	s2 =	rddreg [dreg:$0x1]  }
0x3: {  	s3 =	rddreg [dreg:$0x2]  }
0x4: {  	s4 =	rddreg [dreg:$0x3]  }
0x5: {  	s12 =	rddreg [dreg:$0x4]  }
0x6: {  	s1 =	simm.s32 $0x0;
	s5 =	srdreg.scid;
	s8 =	stileid.u32  }
0x7: {  	s30 =	simm.s32 $0x2480;
	s31 =	simm.s32 $0x100;
	s13 =	simm.s32 $0x4480  }
0x8: {  	s14 =	simm.s32 $0x180;
	s15 =	simm.s32 $0x6480;
	s16 =	simm.s32 $0x200  }
0x9: {  	s17 =	simm.s32 $0x8480;
	s18 =	simm.s32 $0x280;
	s19 =	simm.s32 $0xA480  }
0xa: {  	s20 =	simm.s32 $0x300;
	s21 =	simm.s32 $0xC480;
	s22 =	simm.s32 $0x380  }
0xb: {  	s23 =	simm.s32 $0xE480;
	p1 =	por $0x0, $0x0;
	[smem:$0x7FF] =	sst s1  }
0xc: {  	s5 =	sand.u32 $0x1, s5;
	s6 =	sshll.u32 s8, $0x1;
	s9 =	sadd.s32 $0x2C00, s2  }
0xd: {  	s6 =	sor.u32 s5, s6;
	s10 =	sshll.u32 s5, $0xB;
	s5 =	ssub.s32 $0x2, s5  }
0xe: {  	s7 =	sadd.s32 $0xC00, s2;
	p0 =	sne.s32 s8, $0x0;
	s25 =	sshrl.u32 s5, $0x1  }
0xf: {  	_ =	strace $0x80000047;
	[dreg:$0x5] =	wrdreg s9;
	s5 =	ssub.s32 s5, s25  }
0x10: {  	s9 =	simm.s32 $0x80;
	[dreg:$0x9] =	wrdreg s30;
	s29 =	smax.u32 s5, $0x1  }
0x11: {  	s11 =	smul.u32 $0x90, s6;
	s24 =	sadd.s32 s10, s2;
	s10 =	sadd.s32 $0xFFFFFFFF, s29  }
0x12: {  	[dreg:$0xa] =	wrdreg s31;
	s6 =	smul.u32 $0x2400, s6;
	p2 =	sne.s32 s10, $0x0  }
.Ltmp0:
0x13: {  	s8 =	sshrl.u32 @!p0 s4, $0x3;
	s26 =	sadd.s32 $0x3E00, s24;
	(pc) =	sbr.rel @!p2 .LBB2_5-.Ltmp0, $4  }
0x14: {  	s24 =	simm.s32 $0x400;
	s0 =	sadd.s32 s0, s11;
	[dreg:$0x7] =	wrdreg s26  }
0x15: {  	s25 =	simm.s32 $0x10480;
	s28 =	sadd.s32 s3, s6;
	[dreg:$0x6] =	wrdreg s0  }
0x16: {  	s6 =	sadd.s32 $0x3400, s2;
	s2 =	simm.s32 $0x2;
	[dreg:$0x8] =	wrdreg s28  }
0x17: {  	s3 =	simm.s32 $0x480;
	s5 =	simm.s32 $0x1;
	s11 =	rddreg [dreg:$0x6]  }
0x18: {  	[tilespmem:s1], [sflag:$0x2] =	stream.linear.gather [hbm4b:s11+s1], $0x480, $0x38;
	[tilespmem:$0x17080] =	vst v63  }
0x19: {  	_ =	swait.ge [sflag:s2], $0x480  }
0x1a: {  	[sflag:s2] =	ssyncset.done $0x0  }
0x1b: {  	[sflag:s2] =	ssyncadd.s32 $0xFFFFFB80  }
0x1c: {  	[tilespmem:s3], [sflag:$0x1] =	stream.indirect.gather [hbm4b:s7+s9], $0x40, s1, s9, $0xb8;
	[tilespmem:$0x17080] =	vst v63  }
0x1d: {  	s0 =	rddreg [dreg:$0x9]  }
0x1e: {  	[tilespmem:s0], [sflag:$0x1] =	stream.indirect.gather [hbm4b:s7+s9], $0x40, s9, s9, $0xb8;
	[tilespmem:$0x17080] =	vst v63  }
0x1f: {  	s26 =	rddreg [dreg:$0xa]  }
0x20: {  	[tilespmem:s13], [sflag:$0x1] =	stream.indirect.gather [hbm4b:s7+s9], $0x40, s26, s9, $0xb8;
	[tilespmem:$0x17080] =	vst v63  }
0x21: {  	_ = 	snop  }
0x22: {  	[tilespmem:s15], [sflag:$0x1] =	stream.indirect.gather [hbm4b:s7+s9], $0x40, s14, s9, $0xb8;
	[tilespmem:$0x17080] =	vst v63  }
0x23: {  	_ = 	snop  }
0x24: {  	[tilespmem:s17], [sflag:$0x1] =	stream.indirect.gather [hbm4b:s7+s9], $0x40, s16, s9, $0xb8;
	[tilespmem:$0x17080] =	vst v63  }
0x25: {  	_ = 	snop  }
0x26: {  	[tilespmem:s19], [sflag:$0x1] =	stream.indirect.gather [hbm4b:s7+s9], $0x40, s18, s9, $0xb8;
	[tilespmem:$0x17080] =	vst v63  }
0x27: {  	_ = 	snop  }
0x28: {  	[tilespmem:s21], [sflag:$0x1] =	stream.indirect.gather [hbm4b:s7+s9], $0x40, s20, s9, $0xb8;
	[tilespmem:$0x17080] =	vst v63  }
0x29: {  	_ = 	snop  }
0x2a: {  	[tilespmem:s23], [sflag:$0x1] =	stream.indirect.gather [hbm4b:s7+s9], $0x40, s22, s9, $0xb8;
	[tilespmem:$0x17080] =	vst v63  }
0x2b: {  	_ = 	snop  }
0x2c: {  	[tilespmem:s25], [sflag:$0x1] =	stream.indirect.gather [hbm4b:s7+s9], $0x40, s24, s9, $0xb8;
	[tilespmem:$0x17080] =	vst v63  }
0x2d: {  	s23 =	simm.s32 @p0 $0x0;
	s24 =	simm.s32 @p0 $0x12480;
	s25 =	simm.s32 @p0 $0x2  }
0x2e: {  	[tilespmem:s24], [sflag:$0x2] =	stream.linear.gather @p0 [hbm4b:s6+s23], $0x4800, $0x38;
	[tilespmem:$0x17080] =	vst v63  }
0x2f: {  	_ =	swait.ge @p0 [sflag:s25], $0x4800  }
0x30: {  	[sflag:s25] =	ssyncset.done @p0 $0x0  }
0x31: {  	[sflag:s25] =	ssyncadd.s32 @p0 $0xFFFFB800  }
0x32: {  	s26 =	simm.s32 @p0 $0x480;
	[bflag:$0x0] =	sbarrier.arrive @p0 $0xFFFF  }
0x33: {  	[spmem:s4] =	stream.indirect.scatter.add.f32 @p0 [tilespmem:s24], [sflag:$0x2], $0x10, s23, s26, $0xb8;
	[tilespmem:$0x17080] =	vst v63  }
0x34: {  	_ =	swait.ge @p0 [sflag:s25], $0x4800  }
0x35: {  	[sflag:s25] =	ssyncset.done @p0 $0x0  }
0x36: {  	[sflag:s25] =	ssyncadd.s32 @p0 $0xFFFFB800  }
0x37: {  	[bflag:$0x0] =	sbarrier.arrive @p0 $0xFFFF  }
0x38: {  	s28 =	simm.s32 @!p0 $0x1C02;
	s29 =	simm.s32 @!p0 $0x2;
	s0 =	rddreg [dreg:$0x5]  }
0x39: {  	[spmem:s8], [sflag:s28] =	dma.local @!p0 [hbm:s0], $0x800  }
0x3a: {  	_ =	swait.ge @!p0 [sflag:s29], $0x800  }
0x3b: {  	[sflag:s29] =	ssyncset.done @!p0 $0x0  }
0x3c: {  	s30 =	simm.s32 @!p0 $0x0;
	s31 =	simm.s32 @!p0 $0x12480;
	[sflag:s29] =	ssyncadd.s32 @!p0 $0xFFFFF800  }
0x3d: {  	[tilespmem:s31], [sflag:$0x2] =	stream.linear.gather @!p0 [hbm4b:s6+s30], $0x4800, $0x38;
	[tilespmem:$0x17080] =	vst v63  }
0x3e: {  	_ =	swait.ge @!p0 [sflag:s29], $0x4800  }
0x3f: {  	[sflag:s29] =	ssyncset.done @!p0 $0x0  }
0x40: {  	[sflag:s29] =	ssyncadd.s32 @!p0 $0xFFFFB800  }
0x41: {  	s0 =	simm.s32 @!p0 $0x480;
	[bflag:$0x0] =	sbarrier.arrive @!p0 $0xFFFF  }
0x42: {  	[spmem:s4] =	stream.indirect.scatter.add.f32 @!p0 [tilespmem:s31], [sflag:$0x2], $0x10, s30, s0, $0xb8;
	[tilespmem:$0x17080] =	vst v63  }
0x43: {  	_ =	swait.ge @!p0 [sflag:s29], $0x4800  }
0x44: {  	[sflag:s29] =	ssyncset.done @!p0 $0x0  }
0x45: {  	[sflag:s29] =	ssyncadd.s32 @!p0 $0xFFFFB800  }
0x46: {  	[bflag:$0x0] =	sbarrier.arrive @!p0 $0xFFFF  }
0x47: {  	s11 =	rddreg [dreg:$0x7]  }
0x48: {  	[hbm:s11], [sflag:s28] =	dma.local @!p0 [spmem:s8], $0x800  }
0x49: {  	_ =	swait.ge @!p0 [sflag:s29], $0x800  }
0x4a: {  	[sflag:s29] =	ssyncset.done @!p0 $0x0  }
0x4b: {  	[sflag:s29] =	ssyncadd.s32 @!p0 $0xFFFFF800  }
0x4c: {  	_ =	swait.ge [sflag:s5], $0x2000  }
0x4d: {  	[sflag:s5] =	ssyncset.done $0x0  }
0x4e: {  	[sflag:s5] =	ssyncadd.s32 $0xFFFFE000  }
0x4f: {  	_ =	swait.ge [sflag:s5], $0x2000  }
0x50: {  	[sflag:s5] =	ssyncset.done $0x0  }
0x51: {  	[sflag:s5] =	ssyncadd.s32 $0xFFFFE000  }
0x52: {  	_ =	swait.ge [sflag:s5], $0x2000  }
0x53: {  	[sflag:s5] =	ssyncset.done $0x0  }
0x54: {  	[sflag:s5] =	ssyncadd.s32 $0xFFFFE000  }
0x55: {  	_ =	swait.ge [sflag:s5], $0x2000  }
0x56: {  	[sflag:s5] =	ssyncset.done $0x0  }
0x57: {  	[sflag:s5] =	ssyncadd.s32 $0xFFFFE000  }
0x58: {  	_ =	swait.ge [sflag:s5], $0x2000  }
0x59: {  	[sflag:s5] =	ssyncset.done $0x0  }
0x5a: {  	[sflag:s5] =	ssyncadd.s32 $0xFFFFE000  }
0x5b: {  	_ =	swait.ge [sflag:s5], $0x2000  }
0x5c: {  	[sflag:s5] =	ssyncset.done $0x0  }
0x5d: {  	[sflag:s5] =	ssyncadd.s32 $0xFFFFE000  }
0x5e: {  	_ =	swait.ge [sflag:s5], $0x2000  }
0x5f: {  	[sflag:s5] =	ssyncset.done $0x0  }
0x60: {  	[sflag:s5] =	ssyncadd.s32 $0xFFFFE000  }
0x61: {  	s10 =	sadd.s32 $0xFFFFFFFF, s10;
	p1 =	por $0x1, $0x1;
	_ =	swait.ge [sflag:s5], $0x2000  }
0x62: {  	p2 =	sne.s32 s10, $0x0;
	s13 =	simm.s32 $0xE480;
	[sflag:s5] =	ssyncset.done $0x0  }
0x63: {  	s14 =	simm.s32 $0x400;
	s15 =	simm.s32 $0x10480;
	[sflag:s5] =	ssyncadd.s32 $0xFFFFE000  }
0x64: {  	s16 =	simm.s32 $0x200;
	s17 =	simm.s32 $0x8480;
	_ =	swait.ge [sflag:s5], $0x2000  }
.Ltmp1:
0x65: {  	s18 =	simm.s32 $0x280;
	[sflag:s5] =	ssyncset.done $0x0;
	(pc) =	sbr.rel @!p2 .LBB2_2-.Ltmp1, $4  }
0x66: {  	s19 =	simm.s32 $0xA480;
	s12 =	rddreg [dreg:$0x8];
	[sflag:s5] =	ssyncadd.s32 $0xFFFFE000  }
0x67: {  	[hbm4b:s12+s1] =	stream.linear.scatter [tilespmem:s3], [sflag:$0x2], $0x12000, $0x38;
	[tilespmem:$0x17080] =	vst v63  }
0x68: {  	s20 =	simm.s32 $0x300;
	s21 =	simm.s32 $0xC480;
	_ =	swait.ge [sflag:s2], $0x12000  }
0x69: {  	s22 =	simm.s32 $0x380;
	s11 =	rddreg [dreg:$0x6];
	[sflag:s2] =	ssyncset.done $0x0  }
.LBB2_3:
0x6a: {  	[sflag:s2] =	ssyncadd.s32 $0xFFFEE000  }
0x6b: {  	[tilespmem:s1], [sflag:$0x2] =	stream.linear.gather [hbm4b:s11+s1], $0x480, $0x38;
	[tilespmem:$0x17080] =	vst v63  }
0x6c: {  	_ =	swait.ge [sflag:s2], $0x480  }
0x6d: {  	[sflag:s2] =	ssyncset.done $0x0  }
0x6e: {  	[sflag:s2] =	ssyncadd.s32 $0xFFFFFB80  }
0x6f: {  	[tilespmem:s3], [sflag:$0x1] =	stream.indirect.gather [hbm4b:s7+s9], $0x40, s1, s9, $0xb8;
	[tilespmem:$0x17080] =	vst v63  }
0x70: {  	s11 =	rddreg [dreg:$0x9]  }
0x71: {  	[tilespmem:s11], [sflag:$0x1] =	stream.indirect.gather [hbm4b:s7+s9], $0x40, s9, s9, $0xb8;
	[tilespmem:$0x17080] =	vst v63  }
0x72: {  	s12 =	rddreg [dreg:$0xa];
	s11 =	simm.s32 $0x4480  }
0x73: {  	[tilespmem:s11], [sflag:$0x1] =	stream.indirect.gather [hbm4b:s7+s9], $0x40, s12, s9, $0xb8;
	[tilespmem:$0x17080] =	vst v63  }
0x74: {  	s11 =	simm.s32 $0x180;
	s12 =	simm.s32 $0x6480  }
0x75: {  	[tilespmem:s12], [sflag:$0x1] =	stream.indirect.gather [hbm4b:s7+s9], $0x40, s11, s9, $0xb8;
	[tilespmem:$0x17080] =	vst v63  }
0x76: {  	_ = 	snop  }
0x77: {  	[tilespmem:s17], [sflag:$0x1] =	stream.indirect.gather [hbm4b:s7+s9], $0x40, s16, s9, $0xb8;
	[tilespmem:$0x17080] =	vst v63  }
0x78: {  	_ = 	snop  }
0x79: {  	[tilespmem:s19], [sflag:$0x1] =	stream.indirect.gather [hbm4b:s7+s9], $0x40, s18, s9, $0xb8;
	[tilespmem:$0x17080] =	vst v63  }
0x7a: {  	_ = 	snop  }
0x7b: {  	[tilespmem:s21], [sflag:$0x1] =	stream.indirect.gather [hbm4b:s7+s9], $0x40, s20, s9, $0xb8;
	[tilespmem:$0x17080] =	vst v63  }
0x7c: {  	_ = 	snop  }
0x7d: {  	[tilespmem:s13], [sflag:$0x1] =	stream.indirect.gather [hbm4b:s7+s9], $0x40, s22, s9, $0xb8;
	[tilespmem:$0x17080] =	vst v63  }
0x7e: {  	_ = 	snop  }
0x7f: {  	[tilespmem:s15], [sflag:$0x1] =	stream.indirect.gather [hbm4b:s7+s9], $0x40, s14, s9, $0xb8;
	[tilespmem:$0x17080] =	vst v63  }
0x80: {  	_ = 	snop  }
0x81: {  	[tilespmem:s24], [sflag:$0x2] =	stream.linear.gather @p0 [hbm4b:s6+s23], $0x4800, $0x38;
	[tilespmem:$0x17080] =	vst v63  }
0x82: {  	_ =	swait.ge @p0 [sflag:s25], $0x4800  }
0x83: {  	[sflag:s25] =	ssyncset.done @p0 $0x0  }
0x84: {  	[sflag:s25] =	ssyncadd.s32 @p0 $0xFFFFB800  }
0x85: {  	[bflag:$0x0] =	sbarrier.arrive @p0 $0xFFFF  }
0x86: {  	[spmem:s4] =	stream.indirect.scatter.add.f32 @p0 [tilespmem:s24], [sflag:$0x2], $0x10, s23, s26, $0xb8;
	[tilespmem:$0x17080] =	vst v63  }
0x87: {  	_ =	swait.ge @p0 [sflag:s25], $0x4800  }
0x88: {  	[sflag:s25] =	ssyncset.done @p0 $0x0  }
0x89: {  	[sflag:s25] =	ssyncadd.s32 @p0 $0xFFFFB800  }
0x8a: {  	[bflag:$0x0] =	sbarrier.arrive @p0 $0xFFFF  }
0x8b: {  	s11 =	rddreg [dreg:$0x5]  }
0x8c: {  	[spmem:s8], [sflag:s28] =	dma.local @!p0 [hbm:s11], $0x800  }
0x8d: {  	_ =	swait.ge @!p0 [sflag:s29], $0x800  }
0x8e: {  	[sflag:s29] =	ssyncset.done @!p0 $0x0  }
0x8f: {  	[sflag:s29] =	ssyncadd.s32 @!p0 $0xFFFFF800  }
0x90: {  	[tilespmem:s31], [sflag:$0x2] =	stream.linear.gather @!p0 [hbm4b:s6+s30], $0x4800, $0x38;
	[tilespmem:$0x17080] =	vst v63  }
0x91: {  	_ =	swait.ge @!p0 [sflag:s29], $0x4800  }
0x92: {  	[sflag:s29] =	ssyncset.done @!p0 $0x0  }
0x93: {  	[sflag:s29] =	ssyncadd.s32 @!p0 $0xFFFFB800  }
0x94: {  	[bflag:$0x0] =	sbarrier.arrive @!p0 $0xFFFF  }
0x95: {  	[spmem:s4] =	stream.indirect.scatter.add.f32 @!p0 [tilespmem:s31], [sflag:$0x2], $0x10, s30, s0, $0xb8;
	[tilespmem:$0x17080] =	vst v63  }
0x96: {  	_ =	swait.ge @!p0 [sflag:s29], $0x4800  }
0x97: {  	[sflag:s29] =	ssyncset.done @!p0 $0x0  }
0x98: {  	[sflag:s29] =	ssyncadd.s32 @!p0 $0xFFFFB800  }
0x99: {  	[bflag:$0x0] =	sbarrier.arrive @!p0 $0xFFFF  }
0x9a: {  	s11 =	rddreg [dreg:$0x7]  }
0x9b: {  	[hbm:s11], [sflag:s28] =	dma.local @!p0 [spmem:s8], $0x800  }
0x9c: {  	_ =	swait.ge @!p0 [sflag:s29], $0x800  }
0x9d: {  	[sflag:s29] =	ssyncset.done @!p0 $0x0  }
0x9e: {  	[sflag:s29] =	ssyncadd.s32 @!p0 $0xFFFFF800  }
0x9f: {  	_ =	swait.ge [sflag:s5], $0x2000  }
0xa0: {  	[sflag:s5] =	ssyncset.done $0x0  }
0xa1: {  	[sflag:s5] =	ssyncadd.s32 $0xFFFFE000  }
0xa2: {  	_ =	swait.ge [sflag:s5], $0x2000  }
0xa3: {  	[sflag:s5] =	ssyncset.done $0x0  }
0xa4: {  	[sflag:s5] =	ssyncadd.s32 $0xFFFFE000  }
0xa5: {  	_ =	swait.ge [sflag:s5], $0x2000  }
0xa6: {  	[sflag:s5] =	ssyncset.done $0x0  }
0xa7: {  	[sflag:s5] =	ssyncadd.s32 $0xFFFFE000  }
0xa8: {  	_ =	swait.ge [sflag:s5], $0x2000  }
0xa9: {  	[sflag:s5] =	ssyncset.done $0x0  }
0xaa: {  	[sflag:s5] =	ssyncadd.s32 $0xFFFFE000  }
0xab: {  	_ =	swait.ge [sflag:s5], $0x2000  }
0xac: {  	[sflag:s5] =	ssyncset.done $0x0  }
0xad: {  	[sflag:s5] =	ssyncadd.s32 $0xFFFFE000  }
0xae: {  	_ =	swait.ge [sflag:s5], $0x2000  }
0xaf: {  	[sflag:s5] =	ssyncset.done $0x0  }
0xb0: {  	[sflag:s5] =	ssyncadd.s32 $0xFFFFE000  }
0xb1: {  	_ =	swait.ge [sflag:s5], $0x2000  }
0xb2: {  	[sflag:s5] =	ssyncset.done $0x0  }
0xb3: {  	[sflag:s5] =	ssyncadd.s32 $0xFFFFE000  }
0xb4: {  	_ =	swait.ge [sflag:s5], $0x2000  }
0xb5: {  	[sflag:s5] =	ssyncset.done $0x0  }
0xb6: {  	s10 =	sadd.s32 $0xFFFFFFFF, s10;
	[sflag:s5] =	ssyncadd.s32 $0xFFFFE000  }
0xb7: {  	p2 =	sne.s32 s10, $0x0;
	_ =	swait.ge [sflag:s5], $0x2000  }
.Ltmp2:
0xb8: {  	[sflag:s5] =	ssyncset.done $0x0;
	(pc) =	sbr.rel @p2 .LBB2_3-.Ltmp2, $4  }
0xb9: {  	s12 =	rddreg [dreg:$0x8];
	[sflag:s5] =	ssyncadd.s32 $0xFFFFE000  }
0xba: {  	[hbm4b:s12+s1] =	stream.linear.scatter [tilespmem:s3], [sflag:$0x2], $0x12000, $0x38;
	[tilespmem:$0x17080] =	vst v63  }
0xbb: {  	_ =	swait.ge [sflag:s2], $0x12000  }
0xbc: {  	s11 =	rddreg [dreg:$0x6];
	[sflag:s2] =	ssyncset.done $0x0  }
0xbd: {  	s12 =	rddreg [dreg:$0x4];
	s13 =	simm.s32 $0x4480  }
0xbe: {  	s14 =	simm.s32 $0x180;
	s15 =	simm.s32 $0x6480;
	s16 =	simm.s32 $0x200  }
0xbf: {  	s17 =	simm.s32 $0x8480;
	s18 =	simm.s32 $0x280;
	s19 =	simm.s32 $0xA480  }
0xc0: {  	s20 =	simm.s32 $0x300;
	s21 =	simm.s32 $0xC480;
	s22 =	simm.s32 $0x380  }
0xc1: {  	s23 =	simm.s32 $0xE480;
	s24 =	simm.s32 $0x400;
	s25 =	simm.s32 $0x10480  }
.LBB2_5:
0xc2: {  	[sflag:s2] =	ssyncadd.s32 @p1 $0xFFFEE000  }
0xc3: {  	[tilespmem:s1], [sflag:$0x2] =	stream.linear.gather [hbm4b:s11+s1], $0x480, $0x38;
	[tilespmem:$0x17080] =	vst v63  }
0xc4: {  	_ =	swait.ge [sflag:s2], $0x480  }
0xc5: {  	[sflag:s2] =	ssyncset.done $0x0  }
0xc6: {  	[sflag:s2] =	ssyncadd.s32 $0xFFFFFB80  }
0xc7: {  	[tilespmem:s3], [sflag:$0x1] =	stream.indirect.gather [hbm4b:s7+s9], $0x40, s1, s9, $0xb8;
	[tilespmem:$0x17080] =	vst v63  }
0xc8: {  	s0 =	rddreg [dreg:$0x9]  }
0xc9: {  	[tilespmem:s0], [sflag:$0x1] =	stream.indirect.gather [hbm4b:s7+s9], $0x40, s9, s9, $0xb8;
	[tilespmem:$0x17080] =	vst v63  }
0xca: {  	s10 =	rddreg [dreg:$0xa]  }
0xcb: {  	[tilespmem:s13], [sflag:$0x1] =	stream.indirect.gather [hbm4b:s7+s9], $0x40, s10, s9, $0xb8;
	[tilespmem:$0x17080] =	vst v63  }
0xcc: {  	_ = 	snop  }
0xcd: {  	[tilespmem:s15], [sflag:$0x1] =	stream.indirect.gather [hbm4b:s7+s9], $0x40, s14, s9, $0xb8;
	[tilespmem:$0x17080] =	vst v63  }
0xce: {  	_ = 	snop  }
0xcf: {  	[tilespmem:s17], [sflag:$0x1] =	stream.indirect.gather [hbm4b:s7+s9], $0x40, s16, s9, $0xb8;
	[tilespmem:$0x17080] =	vst v63  }
0xd0: {  	_ = 	snop  }
0xd1: {  	[tilespmem:s19], [sflag:$0x1] =	stream.indirect.gather [hbm4b:s7+s9], $0x40, s18, s9, $0xb8;
	[tilespmem:$0x17080] =	vst v63  }
0xd2: {  	_ = 	snop  }
0xd3: {  	[tilespmem:s21], [sflag:$0x1] =	stream.indirect.gather [hbm4b:s7+s9], $0x40, s20, s9, $0xb8;
	[tilespmem:$0x17080] =	vst v63  }
0xd4: {  	_ = 	snop  }
0xd5: {  	[tilespmem:s23], [sflag:$0x1] =	stream.indirect.gather [hbm4b:s7+s9], $0x40, s22, s9, $0xb8;
	[tilespmem:$0x17080] =	vst v63  }
0xd6: {  	_ = 	snop  }
0xd7: {  	[tilespmem:s25], [sflag:$0x1] =	stream.indirect.gather [hbm4b:s7+s9], $0x40, s24, s9, $0xb8;
	[tilespmem:$0x17080] =	vst v63  }
0xd8: {  	s0 =	simm.s32 @p0 $0x0;
	s7 =	simm.s32 @p0 $0x12480;
	s9 =	simm.s32 @p0 $0x2  }
0xd9: {  	[tilespmem:s7], [sflag:$0x2] =	stream.linear.gather @p0 [hbm4b:s6+s0], $0x4800, $0x38;
	[tilespmem:$0x17080] =	vst v63  }
0xda: {  	_ =	swait.ge @p0 [sflag:s9], $0x4800  }
0xdb: {  	[sflag:s9] =	ssyncset.done @p0 $0x0  }
0xdc: {  	[sflag:s9] =	ssyncadd.s32 @p0 $0xFFFFB800  }
0xdd: {  	s10 =	simm.s32 @p0 $0x480;
	[bflag:$0x0] =	sbarrier.arrive @p0 $0xFFFF  }
0xde: {  	[spmem:s4] =	stream.indirect.scatter.add.f32 @p0 [tilespmem:s7], [sflag:$0x2], $0x10, s0, s10, $0xb8;
	[tilespmem:$0x17080] =	vst v63  }
0xdf: {  	_ =	swait.ge @p0 [sflag:s9], $0x4800  }
0xe0: {  	[sflag:s9] =	ssyncset.done @p0 $0x0  }
0xe1: {  	[sflag:s9] =	ssyncadd.s32 @p0 $0xFFFFB800  }
0xe2: {  	[bflag:$0x0] =	sbarrier.arrive @p0 $0xFFFF  }
0xe3: {  	s7 =	simm.s32 @!p0 $0x1C02;
	s9 =	simm.s32 @!p0 $0x2;
	s0 =	rddreg [dreg:$0x5]  }
0xe4: {  	[spmem:s8], [sflag:s7] =	dma.local @!p0 [hbm:s0], $0x800  }
0xe5: {  	_ =	swait.ge @!p0 [sflag:s9], $0x800  }
0xe6: {  	[sflag:s9] =	ssyncset.done @!p0 $0x0  }
0xe7: {  	s10 =	simm.s32 @!p0 $0x12480;
	s0 =	simm.s32 @!p0 $0x0;
	[sflag:s9] =	ssyncadd.s32 @!p0 $0xFFFFF800  }
0xe8: {  	[tilespmem:s10], [sflag:$0x2] =	stream.linear.gather @!p0 [hbm4b:s6+s0], $0x4800, $0x38;
	[tilespmem:$0x17080] =	vst v63  }
0xe9: {  	_ =	swait.ge @!p0 [sflag:s9], $0x4800  }
0xea: {  	[sflag:s9] =	ssyncset.done @!p0 $0x0  }
0xeb: {  	[sflag:s9] =	ssyncadd.s32 @!p0 $0xFFFFB800  }
0xec: {  	s6 =	simm.s32 @!p0 $0x480;
	[bflag:$0x0] =	sbarrier.arrive @!p0 $0xFFFF  }
0xed: {  	[spmem:s4] =	stream.indirect.scatter.add.f32 @!p0 [tilespmem:s10], [sflag:$0x2], $0x10, s0, s6, $0xb8;
	[tilespmem:$0x17080] =	vst v63  }
0xee: {  	_ =	swait.ge @!p0 [sflag:s9], $0x4800  }
0xef: {  	[sflag:s9] =	ssyncset.done @!p0 $0x0  }
0xf0: {  	[sflag:s9] =	ssyncadd.s32 @!p0 $0xFFFFB800  }
0xf1: {  	[bflag:$0x0] =	sbarrier.arrive @!p0 $0xFFFF  }
0xf2: {  	s0 =	rddreg [dreg:$0x7]  }
0xf3: {  	[hbm:s0], [sflag:s7] =	dma.local @!p0 [spmem:s8], $0x800  }
0xf4: {  	_ =	swait.ge @!p0 [sflag:s9], $0x800  }
0xf5: {  	[sflag:s9] =	ssyncset.done @!p0 $0x0  }
0xf6: {  	[sflag:s9] =	ssyncadd.s32 @!p0 $0xFFFFF800  }
0xf7: {  	_ =	swait.ge [sflag:s5], $0x2000  }
0xf8: {  	[sflag:s5] =	ssyncset.done $0x0  }
0xf9: {  	[sflag:s5] =	ssyncadd.s32 $0xFFFFE000  }
0xfa: {  	_ =	swait.ge [sflag:s5], $0x2000  }
0xfb: {  	[sflag:s5] =	ssyncset.done $0x0  }
0xfc: {  	[sflag:s5] =	ssyncadd.s32 $0xFFFFE000  }
0xfd: {  	_ =	swait.ge [sflag:s5], $0x2000  }
0xfe: {  	[sflag:s5] =	ssyncset.done $0x0  }
0xff: {  	[sflag:s5] =	ssyncadd.s32 $0xFFFFE000  }
0x100: {  	_ =	swait.ge [sflag:s5], $0x2000  }
0x101: {  	[sflag:s5] =	ssyncset.done $0x0  }
0x102: {  	[sflag:s5] =	ssyncadd.s32 $0xFFFFE000  }
0x103: {  	_ =	swait.ge [sflag:s5], $0x2000  }
0x104: {  	[sflag:s5] =	ssyncset.done $0x0  }
0x105: {  	[sflag:s5] =	ssyncadd.s32 $0xFFFFE000  }
0x106: {  	_ =	swait.ge [sflag:s5], $0x2000  }
0x107: {  	[sflag:s5] =	ssyncset.done $0x0  }
0x108: {  	[sflag:s5] =	ssyncadd.s32 $0xFFFFE000  }
0x109: {  	_ =	swait.ge [sflag:s5], $0x2000  }
0x10a: {  	[sflag:s5] =	ssyncset.done $0x0  }
0x10b: {  	[sflag:s5] =	ssyncadd.s32 $0xFFFFE000  }
0x10c: {  	_ =	swait.ge [sflag:s5], $0x2000  }
0x10d: {  	[sflag:s5] =	ssyncset.done $0x0  }
0x10e: {  	[sflag:s5] =	ssyncadd.s32 $0xFFFFE000  }
0x10f: {  	_ =	swait.ge [sflag:s5], $0x2000  }
0x110: {  	[sflag:s5] =	ssyncset.done $0x0  }
0x111: {  	s31 =	rddreg [dreg:$0x8];
	[sflag:s5] =	ssyncadd.s32 $0xFFFFE000  }
0x112: {  	[hbm4b:s31+s1] =	stream.linear.scatter [tilespmem:s3], [sflag:$0x2], $0x12000, $0x38;
	[tilespmem:$0x17080] =	vst v63  }
0x113: {  	_ =	swait.ge [sflag:s2], $0x12000  }
0x114: {  	[sflag:s2] =	ssyncset.done $0x0  }
0x115: {  	[sflag:s2] =	ssyncadd.s32 $0xFFFEE000  }
0x116: {  	_ =	sfence.sel $0x180000  }
0x117: {  	[bflag:$0x0] =	sbarrier.arrive $0xFFFF  }
0x118: {  	_ =	strace $0x90000047  }
0x119: {  	s0 =	sadd.s32 @!p0 $0x100000, s12;
	[bflag:$0x2] =	sbarrier.arrive $0xFFFF  }
0x11a: {  	[sflag:s0] =	ssyncadd.tile.s32 @!p0 $0x1;
	_ =	shalt  }
.LBB2_2:
.Ltmp3:
0x11b: {  	s12 =	rddreg [dreg:$0x4];
	s13 =	simm.s32 $0x4480;
	(pc) =	sbr.rel .LBB2_5-.Ltmp3, $4  }
0x11c: {  	s14 =	simm.s32 $0x180;
	s15 =	simm.s32 $0x6480;
	s16 =	simm.s32 $0x200  }
0x11d: {  	s17 =	simm.s32 $0x8480;
	s18 =	simm.s32 $0x280;
	s19 =	simm.s32 $0xA480  }
0x11e: {  	s20 =	simm.s32 $0x300;
	s21 =	simm.s32 $0xC480;
	s22 =	simm.s32 $0x380  }
0x11f: {  	s23 =	simm.s32 $0xE480;
	s24 =	simm.s32 $0x400;
	s25 =	simm.s32 $0x10480  }
.Lfunc_end2:
_tile_overlayer_lowered:
.L_overlay_start_2:
0x120: {  	(tag) =	ssettag $0x2  }
0x121: {  	s0 =	rddreg [dreg:$0x0];
	s2 =	stileid.u32  }
0x122: {  	s1 =	rddreg [dreg:$0x1];
	p0 =	sne.s32 s2, $0x0  }
0x123: {  	s3 =	rddreg [dreg:$0x2];
	[bflag:$0x3] =	sbarrier.arrive $0xFFFF;
	s2 =	simm.s32 @!p0 $0x1C02  }
0x124: {  	[timem:s3], [sflag:s2] =	dma.local @!p0 [hbm:s0], s1  }
0x125: {  	s0 =	simm.s32 @!p0 $0x2  }
0x126: {  	_ =	swait.ge @!p0 [sflag:s0], s1  }
0x127: {  	s1 =	ssub.s32 @!p0 $0x0, s1;
	[sflag:s0] =	ssyncset.done @!p0 $0x0  }
0x128: {  	[sflag:s0] =	ssyncadd.s32 @!p0 s1  }
0x129: {  	[bflag:$0x3] =	sbarrier.arrive $0xFFFF  }
0x12a: {  	_ =	shalt  }

</sc_bundles>
